<compile_context>
chip_gen: v7x
topology: tpu7x:2x2x1
jax: 0.10.2.dev20260603
libtpu: 0.0.44.dev20260713+nightly
codegen_flags: <defaults>
</compile_context>

<pallas_src>
import functools

import jax
import jax.numpy as jnp
import numpy as np
from jax import lax
from jax.experimental import pallas as pl
from jax.experimental.pallas import tpu as pltpu
from jax.experimental.pallas import tpu_sc as plsc

B, S, D = 1, 2048, 1024
H, KVH, HD = 16, 4, 64
E, FF = 64, 512
EPS = 1e-06
CAP = 256
SCALING = HD ** -0.5
NSLOT = E * CAP
NW = 32
TPW = S // NW
QBLK = 2048
TBLK = 256
F32 = jnp.float32


D2 = D // 2


def _f32dot(a, b, dims):
    return lax.dot_general(a, b, (dims, ((), ())), preferred_element_type=F32)


def _pack_row(x):
    xi = lax.bitcast_convert_type(x, jnp.int32) + jnp.int32(0x8000)
    lo = lax.shift_right_logical(xi[:, :D2], 16)
    hi = jnp.bitwise_and(xi[:, D2:], jnp.int32(-65536))
    return jnp.bitwise_or(lo, hi)


def _unpack_row(p):
    lo = lax.bitcast_convert_type(lax.shift_left(p, 16), F32)
    hi = lax.bitcast_convert_type(jnp.bitwise_and(p, jnp.int32(-65536)), F32)
    return jnp.concatenate([lo, hi], axis=1)


def _rope_rot_matrix():
    pr = np.zeros((HD, HD), np.float32)
    pr[np.arange(HD // 2) + HD // 2, np.arange(HD // 2)] = -1.0
    pr[np.arange(HD // 2), np.arange(HD // 2) + HD // 2] = 1.0
    return np.kron(np.eye(H, dtype=np.float32), pr)


def _head_sel_matrix():
    return np.kron(np.eye(H, dtype=np.float32), np.ones((HD, 1), np.float32))


def _proj_body(hid_ref, ln_ref, qw_ref, kw_ref, vw_ref, pe_ref, rot_ref,
               sel_ref, qo_ref, ko_ref, vo_ref):
    hf = hid_ref[...]
    var = jnp.mean(hf * hf, axis=1, keepdims=True)
    hn = hf * lax.rsqrt(var + EPS) * ln_ref[...]

    pe = pe_ref[...]
    cos = jnp.cos(pe)
    sin = jnp.sin(pe)
    cosf = jnp.concatenate([cos, cos] * H, axis=1)
    sinf = jnp.concatenate([sin, sin] * H, axis=1)

    def norm_rope_flat(x, nheads, scaling):
        w = nheads * HD
        ss = _f32dot(x * x, sel_ref[:w, :nheads], ((1,), (0,)))
        inv = lax.rsqrt(ss * (1.0 / HD) + EPS) * scaling
        scale = _f32dot(inv, sel_ref[:w, :nheads], ((1,), (1,)))
        rot = _f32dot(x.astype(jnp.bfloat16),
                      rot_ref[:w, :w], ((1,), (0,)))
        return (x * cosf[:, :w] + rot * sinf[:, :w]) * scale

    hnb = hn.astype(jnp.bfloat16)
    q = norm_rope_flat(_f32dot(hnb, qw_ref[...].astype(jnp.bfloat16),
                               ((1,), (1,))), H, SCALING)
    for i in range(H):
        qo_ref[i] = q[:, i * HD:(i + 1) * HD].astype(jnp.bfloat16)
    k = norm_rope_flat(_f32dot(hnb, kw_ref[...].astype(jnp.bfloat16),
                               ((1,), (1,))), KVH, 1.0)
    for i in range(KVH):
        ko_ref[i] = k[:, i * HD:(i + 1) * HD].astype(jnp.bfloat16)
    v = _f32dot(hnb, vw_ref[...].astype(jnp.bfloat16), ((1,), (1,)))
    for i in range(KVH):
        vo_ref[i] = v[:, i * HD:(i + 1) * HD].astype(jnp.bfloat16)


def _attn_body(q_ref, k_ref, v_ref, out_ref):
    s = _f32dot(q_ref[0], k_ref[0], ((1,), (1,)))
    p = jnp.exp(s)
    l = jnp.sum(p, axis=1, keepdims=True)
    o = _f32dot(p.astype(jnp.bfloat16), v_ref[0], ((1,), (0,))) / l
    out_ref[0] = o.astype(jnp.bfloat16)


def _post_body(hid_ref, ao_ref, ow_ref, pln_ref, gw_ref,
               h2_ref, flat_ref, meta_ref, cnt_ref, owb_ref):
    b = pl.program_id(0)

    @pl.when(b == 0)
    def _():
        cnt_ref[...] = jnp.zeros_like(cnt_ref)
        owb_ref[...] = ow_ref[...].astype(jnp.bfloat16)

    ao = _f32dot(ao_ref[0], owb_ref[:, :HD], ((1,), (1,)))
    for i in range(1, H):
        ao = ao + _f32dot(ao_ref[i], owb_ref[:, i * HD:(i + 1) * HD],
                          ((1,), (1,)))
    h2 = hid_ref[...] + ao
    h2_ref[...] = h2
    var = jnp.mean(h2 * h2, axis=1, keepdims=True)
    flat = h2 * lax.rsqrt(var + EPS) * pln_ref[...]
    flat_ref[...] = _pack_row(flat)

    logits = _f32dot(flat, gw_ref[...], ((1,), (1,)))
    lane = lax.broadcasted_iota(jnp.int32, (TBLK, E), 1).astype(F32)
    m1 = jnp.max(logits, axis=1, keepdims=True)
    sel1 = jnp.min(jnp.where(logits >= m1, lane, float(E)), axis=1,
                   keepdims=True)
    oneh1 = (lane == sel1).astype(F32)
    l2 = jnp.where(oneh1 > 0, -jnp.inf, logits)
    m2 = jnp.max(l2, axis=1, keepdims=True)
    sel2 = jnp.min(jnp.where(l2 >= m2, lane, float(E)), axis=1, keepdims=True)
    oneh2 = (lane == sel2).astype(F32)
    w1 = 1.0 / (1.0 + jnp.exp(m2 - m1))
    w2 = 1.0 - w1

    cmat = oneh1 + oneh2
    row = lax.broadcasted_iota(jnp.int32, (TBLK, TBLK), 0)
    col = lax.broadcasted_iota(jnp.int32, (TBLK, TBLK), 1)
    ltri = (col < row).astype(F32)
    pos = cnt_ref[0:1, :] + _f32dot(ltri, cmat, ((1,), (0,)))
    cnt_ref[0:1, :] = cnt_ref[0:1, :] + jnp.sum(cmat, axis=0, keepdims=True)
    p1 = jnp.sum(pos * oneh1, axis=1, keepdims=True)
    p2 = jnp.sum(pos * oneh2, axis=1, keepdims=True)

    tglob = jnp.float32(TBLK) * b.astype(F32) + lax.broadcasted_iota(
        jnp.int32, (TBLK, 1), 0).astype(F32)
    ok1 = p1 < float(CAP)
    ok2 = p2 < float(CAP)
    slot1 = sel1 * float(CAP) + p1
    slot2 = sel2 * float(CAP) + p2
    dst1 = jnp.where(ok1, slot1, float(NSLOT) + tglob)
    dst2 = jnp.where(ok2, slot2, float(NSLOT) + tglob)
    g1 = jnp.where(ok1, slot1, 0.0)
    g2 = jnp.where(ok2, slot2, 0.0)
    w1o = jnp.where(ok1, w1, 0.0)
    w2o = jnp.where(ok2, w2, 0.0)
    zero = jnp.zeros((TBLK, 1), F32)
    meta_ref[...] = jnp.concatenate(
        [dst1, dst2, g1, g2, w1o, w2o, zero, zero], axis=1)


EPB = 2


def _ffn_body(x_ref, wg_ref, wu_ref, wd_ref, out_ref):
    for i in range(EPB):
        x = _unpack_row(x_ref[i * CAP:(i + 1) * CAP, :])
        g = _f32dot(x, wg_ref[i], ((1,), (1,)))
        u = _f32dot(x, wu_ref[i], ((1,), (1,)))
        a = g * (1.0 / (1.0 + jnp.exp(-g))) * u
        out_ref[i * CAP:(i + 1) * CAP, :] = _pack_row(
            _f32dot(a, wd_ref[i], ((1,), (1,))))


def _comb_body(h2_ref, y1_ref, y2_ref, w1_ref, w2_ref, out_ref):
    out_ref[...] = (h2_ref[...] + w1_ref[...] * _unpack_row(y1_ref[...])
                    + w2_ref[...] * _unpack_row(y2_ref[...]))


def _sc_dispatch(flat, dst1, dst2):
    mesh = plsc.VectorSubcoreMesh(core_axis_name="c", subcore_axis_name="s")

    @functools.partial(
        pl.kernel, mesh=mesh,
        out_type=jax.ShapeDtypeStruct((NSLOT + S, D2), jnp.int32),
        scratch_types=[
            pltpu.VMEM((TPW,), jnp.int32),
            pltpu.VMEM((TPW,), jnp.int32),
            pltpu.VMEM((TPW, D2), jnp.int32),
            pltpu.SemaphoreType.DMA,
            pltpu.SemaphoreType.DMA,
            pltpu.SemaphoreType.DMA,
        ],
    )
    def body(flat_hbm, dst1_hbm, dst2_hbm, xg_hbm, idx1_v, idx2_v, rows_v,
             sem1, sem2, sem3):
        wid = lax.axis_index("s") * 2 + lax.axis_index("c")
        base = wid * TPW
        c1 = pltpu.async_copy(dst1_hbm.at[pl.ds(base, TPW)], idx1_v, sem1)
        c2 = pltpu.async_copy(dst2_hbm.at[pl.ds(base, TPW)], idx2_v, sem2)
        c3 = pltpu.async_copy(flat_hbm.at[pl.ds(base, TPW)], rows_v, sem3)
        c1.wait()
        c2.wait()
        c3.wait()
        s1 = pltpu.async_copy(rows_v, xg_hbm.at[idx1_v], sem1)
        s2 = pltpu.async_copy(rows_v, xg_hbm.at[idx2_v], sem2)
        s1.wait()
        s2.wait()

    return body(flat, dst1, dst2)


def _sc_combine(moe, g1, g2):
    mesh = plsc.VectorSubcoreMesh(core_axis_name="c", subcore_axis_name="s")

    @functools.partial(
        pl.kernel, mesh=mesh,
        out_type=[jax.ShapeDtypeStruct((S, D2), jnp.int32),
                  jax.ShapeDtypeStruct((S, D2), jnp.int32)],
        scratch_types=[
            pltpu.VMEM((TPW,), jnp.int32),
            pltpu.VMEM((TPW,), jnp.int32),
            pltpu.VMEM((TPW, D2), jnp.int32),
            pltpu.VMEM((TPW, D2), jnp.int32),
            pltpu.SemaphoreType.DMA,
            pltpu.SemaphoreType.DMA,
        ],
    )
    def body(moe_hbm, g1_hbm, g2_hbm, y1_hbm, y2_hbm, idx1_v, idx2_v,
             rows1_v, rows2_v, sem1, sem2):
        wid = lax.axis_index("s") * 2 + lax.axis_index("c")
        base = wid * TPW
        c1 = pltpu.async_copy(g1_hbm.at[pl.ds(base, TPW)], idx1_v, sem1)
        c2 = pltpu.async_copy(g2_hbm.at[pl.ds(base, TPW)], idx2_v, sem2)
        c1.wait()
        c2.wait()
        g1c = pltpu.async_copy(moe_hbm.at[idx1_v], rows1_v, sem1)
        g2c = pltpu.async_copy(moe_hbm.at[idx2_v], rows2_v, sem2)
        g1c.wait()
        g2c.wait()
        o1 = pltpu.async_copy(rows1_v, y1_hbm.at[pl.ds(base, TPW)], sem1)
        o2 = pltpu.async_copy(rows2_v, y2_hbm.at[pl.ds(base, TPW)], sem2)
        o1.wait()
        o2.wait()

    return body(moe, g1, g2)


def kernel(hidden_states, start_pos, position_embeddings, attention_mask,
           input_ln_w, post_ln_w, q_w, k_w, v_w, o_w, qn_w, kn_w, gate_w,
           w_gate, w_up, w_down):
    del start_pos, attention_mask
    del qn_w, kn_w
    hid = hidden_states.reshape(S, D)
    ln = input_ln_w.reshape(1, D)
    pln = post_ln_w.reshape(1, D)
    rotm = jnp.asarray(_rope_rot_matrix(), jnp.bfloat16)
    selm = jnp.asarray(_head_sel_matrix(), F32)

    qo, ko, vo = pl.pallas_call(
        _proj_body,
        grid=(S // TBLK,),
        in_specs=[
            pl.BlockSpec((TBLK, D), lambda b: (b, 0)),
            pl.BlockSpec((1, D), lambda b: (0, 0)),
            pl.BlockSpec((H * HD, D), lambda b: (0, 0)),
            pl.BlockSpec((KVH * HD, D), lambda b: (0, 0)),
            pl.BlockSpec((KVH * HD, D), lambda b: (0, 0)),
            pl.BlockSpec((TBLK, HD // 2), lambda b: (b, 0)),
            pl.BlockSpec((D, D), lambda b: (0, 0)),
            pl.BlockSpec((D, H), lambda b: (0, 0)),
        ],
        out_specs=[
            pl.BlockSpec((H, TBLK, HD), lambda b: (0, b, 0)),
            pl.BlockSpec((KVH, TBLK, HD), lambda b: (0, b, 0)),
            pl.BlockSpec((KVH, TBLK, HD), lambda b: (0, b, 0)),
        ],
        out_shape=[
            jax.ShapeDtypeStruct((H, S, HD), jnp.bfloat16),
            jax.ShapeDtypeStruct((KVH, S, HD), jnp.bfloat16),
            jax.ShapeDtypeStruct((KVH, S, HD), jnp.bfloat16),
        ],
    )(hid, ln, q_w, k_w, v_w, position_embeddings, rotm, selm)

    attn_out = pl.pallas_call(
        _attn_body,
        grid=(H, S // QBLK),
        in_specs=[
            pl.BlockSpec((1, QBLK, HD), lambda h, j: (h, j, 0)),
            pl.BlockSpec((1, S, HD), lambda h, j: (h // (H // KVH), 0, 0)),
            pl.BlockSpec((1, S, HD), lambda h, j: (h // (H // KVH), 0, 0)),
        ],
        out_specs=pl.BlockSpec((1, QBLK, HD), lambda h, j: (h, j, 0)),
        out_shape=jax.ShapeDtypeStruct((H, S, HD), jnp.bfloat16),
    )(qo, ko, vo)

    h2, flat, meta = pl.pallas_call(
        _post_body,
        grid=(S // TBLK,),
        in_specs=[
            pl.BlockSpec((TBLK, D), lambda b: (b, 0)),
            pl.BlockSpec((H, TBLK, HD), lambda b: (0, b, 0)),
            pl.BlockSpec((D, H * HD), lambda b: (0, 0)),
            pl.BlockSpec((1, D), lambda b: (0, 0)),
            pl.BlockSpec((E, D), lambda b: (0, 0)),
        ],
        out_specs=[
            pl.BlockSpec((TBLK, D), lambda b: (b, 0)),
            pl.BlockSpec((TBLK, D2), lambda b: (b, 0)),
            pl.BlockSpec((TBLK, 8), lambda b: (b, 0)),
        ],
        out_shape=[
            jax.ShapeDtypeStruct((S, D), F32),
            jax.ShapeDtypeStruct((S, D2), jnp.int32),
            jax.ShapeDtypeStruct((S, 8), F32),
        ],
        scratch_shapes=[pltpu.VMEM((8, E), F32),
                        pltpu.VMEM((D, H * HD), jnp.bfloat16)],
    )(hid, attn_out, o_w, pln, gate_w)

    dst1 = meta[:, 0].astype(jnp.int32)
    dst2 = meta[:, 1].astype(jnp.int32)
    g1 = meta[:, 2].astype(jnp.int32)
    g2 = meta[:, 3].astype(jnp.int32)
    w1 = meta[:, 4:5]
    w2 = meta[:, 5:6]

    xg = _sc_dispatch(flat, dst1, dst2)

    moe = pl.pallas_call(
        _ffn_body,
        grid=(E // EPB,),
        in_specs=[
            pl.BlockSpec((EPB * CAP, D2), lambda e: (e, 0)),
            pl.BlockSpec((EPB, FF, D), lambda e: (e, 0, 0)),
            pl.BlockSpec((EPB, FF, D), lambda e: (e, 0, 0)),
            pl.BlockSpec((EPB, D, FF), lambda e: (e, 0, 0)),
        ],
        out_specs=pl.BlockSpec((EPB * CAP, D2), lambda e: (e, 0)),
        out_shape=jax.ShapeDtypeStruct((NSLOT, D2), jnp.int32),
    )(xg, w_gate, w_up, w_down)

    y1, y2 = _sc_combine(moe, g1, g2)

    out = pl.pallas_call(
        _comb_body,
        grid=(S // TBLK,),
        in_specs=[
            pl.BlockSpec((TBLK, D), lambda b: (b, 0)),
            pl.BlockSpec((TBLK, D2), lambda b: (b, 0)),
            pl.BlockSpec((TBLK, D2), lambda b: (b, 0)),
            pl.BlockSpec((TBLK, 1), lambda b: (b, 0)),
            pl.BlockSpec((TBLK, 1), lambda b: (b, 0)),
        ],
        out_specs=pl.BlockSpec((TBLK, D), lambda b: (b, 0)),
        out_shape=jax.ShapeDtypeStruct((S, D), F32),
    )(h2, y1, y2, w1, w2)

    return out.reshape(B, S, D)

# --- scband reference (transcript-rebuilt; emitter-appended) ---
"""Pipeline reference for scband-qwen3-moe-decoder-layer-50268297232750 (READ-ONLY COPY).

The authoritative reference and input builder live on the scoring server;
editing this copy changes nothing except your own understanding.
"""

import jax, jax.numpy as jnp
import numpy as np

B, S, D = 1, 2048, 1024
H, KVH, HD = 16, 4, 64
E, TOPK, FF = 64, 2, 512
MAXSEQ = 4096
EPS = 1e-06
CAP = 256
SCALING = HD ** -0.5


def rmsnorm(x, w, eps=EPS):
    xf = x.astype(jnp.float32)
    var = jnp.mean(xf * xf, axis=-1, keepdims=True)
    return w * (xf * jax.lax.rsqrt(var + eps))


def rotate_half(x):
    h = x.shape[-1] // 2
    return jnp.concatenate([-x[..., h:], x[..., :h]], axis=-1)


def setup_inputs(seed: int = 0) -> dict:
    key = jax.random.key(seed)
    ks = jax.random.split(key, 16)
    sc = 0.02
    return {
        'hidden_states': jax.random.normal(ks[0], (B, S, D), jnp.float32),
        'start_pos': 0,
        'position_embeddings': jax.random.normal(ks[1], (S, HD // 2), jnp.float32),
        'attention_mask': jnp.zeros((1, 1, S, S), jnp.float32),
        'input_ln_w': jnp.ones((D,), jnp.float32),
        'post_ln_w': jnp.ones((D,), jnp.float32),
        'q_w': jax.random.normal(ks[2], (H * HD, D), jnp.float32) * sc,
        'k_w': jax.random.normal(ks[3], (KVH * HD, D), jnp.float32) * sc,
        'v_w': jax.random.normal(ks[4], (KVH * HD, D), jnp.float32) * sc,
        'o_w': jax.random.normal(ks[5], (D, H * HD), jnp.float32) * sc,
        'qn_w': jnp.ones((HD,), jnp.float32),
        'kn_w': jnp.ones((HD,), jnp.float32),
        'gate_w': jax.random.normal(ks[6], (E, D), jnp.float32) * sc,
        'w_gate': jax.random.normal(ks[7], (E, FF, D), jnp.float32) * sc,
        'w_up': jax.random.normal(ks[8], (E, FF, D), jnp.float32) * sc,
        'w_down': jax.random.normal(ks[9], (E, D, FF), jnp.float32) * sc,
    }


def _forward(hidden_states, position_embeddings, attention_mask, input_ln_w, post_ln_w, q_w, k_w, v_w, o_w, qn_w, kn_w, gate_w, w_gate, w_up, w_down, start_pos):
    # --- self attention ---
    h = rmsnorm(hidden_states, input_ln_w)
    q = rmsnorm((h @ q_w.T).reshape(B, S, H, HD), qn_w)
    k = rmsnorm((h @ k_w.T).reshape(B, S, KVH, HD), kn_w)
    v = (h @ v_w.T).reshape(B, S, KVH, HD)
    cos = jnp.cos(position_embeddings)
    sin = jnp.sin(position_embeddings)
    cos2 = jnp.concatenate([cos, cos], axis=-1)[None, :, None, :]
    sin2 = jnp.concatenate([sin, sin], axis=-1)[None, :, None, :]
    q = q * cos2 + rotate_half(q) * sin2
    k = k * cos2 + rotate_half(k) * sin2
    # kv cache write then read (fp32 instead of torch fp16 buffer)
    sp = jnp.asarray(start_pos, jnp.int32)
    zero = jnp.zeros((), jnp.int32)
    cache_k = jax.lax.dynamic_update_slice(jnp.zeros((B, MAXSEQ, KVH, HD), jnp.float32), k, (zero, sp, zero, zero))
    cache_v = jax.lax.dynamic_update_slice(jnp.zeros((B, MAXSEQ, KVH, HD), jnp.float32), v, (zero, sp, zero, zero))
    k = jnp.repeat(cache_k[:, :S], H // KVH, axis=2)
    v = jnp.repeat(cache_v[:, :S], H // KVH, axis=2)
    qT = q.transpose(0, 2, 1, 3)
    kT = k.transpose(0, 2, 1, 3)
    vT = v.transpose(0, 2, 1, 3)
    scores = (qT @ kT.transpose(0, 1, 3, 2)) * SCALING + attention_mask
    attn = jax.nn.softmax(scores, axis=-1)
    ao = (attn @ vT).transpose(0, 2, 1, 3).reshape(B, S, H * HD) @ o_w.T
    hidden = hidden_states + ao
    # --- sparse MoE block ---
    flat = rmsnorm(hidden, post_ln_w).reshape(B * S, D)
    logits = flat @ gate_w.T
    probs = jax.nn.softmax(logits.astype(jnp.float32), axis=-1)
    rw, sel = jax.lax.top_k(probs, TOPK)
    rw = rw / jnp.sum(rw, axis=-1, keepdims=True)
    # per-token routing weight per expert, built via scatter-add
    comb = jnp.zeros((B * S, E), jnp.float32).at[jnp.arange(B * S)[:, None], sel].add(rw)
    final = jnp.zeros((B * S, D), jnp.float32)
    for e in range(E):
        # capacity-based gather of this expert's tokens (unrouted slots have weight 0)
        wv, idx = jax.lax.top_k(comb[:, e], CAP)
        cur = flat[idx]
        ff = jax.nn.silu(cur @ w_gate[e].T) * (cur @ w_up[e].T)
        final = final.at[idx].add((ff @ w_down[e].T) * wv[:, None])
    return hidden + final.reshape(B, S, D)


def reference(hidden_states, start_pos, position_embeddings, attention_mask, input_ln_w, post_ln_w, q_w, k_w, v_w, o_w, qn_w, kn_w, gate_w, w_gate, w_up, w_down):
    return _forward(hidden_states, position_embeddings, attention_mask, input_ln_w, post_ln_w, q_w, k_w, v_w, o_w, qn_w, kn_w, gate_w, w_gate, w_up, w_down, start_pos)

if __name__ == "__main__":
    import jax
    _d = setup_inputs()
    print(jax.jit(kernel)(*tuple(_d.values())))

</pallas_src>

<mosaic_0001>
#map = affine_map<(d0, d1) -> (0, 0)>
#map1 = affine_map<(d0, d1) -> (0)>
module attributes {stable_mosaic.version = 14 : i64} {
  func.func @body(%arg0: i32, %arg1: i32, %arg2: memref<16384x512xi32, #tpu.memory_space<hbm>>, %arg3: memref<2048xi32, #tpu.memory_space<hbm>>, %arg4: memref<2048xi32, #tpu.memory_space<hbm>>, %arg5: memref<2048x512xi32, #tpu.memory_space<hbm>>, %arg6: memref<2048x512xi32, #tpu.memory_space<hbm>>, %arg7: memref<64xi32, #tpu.memory_space<vmem>>, %arg8: memref<64xi32, #tpu.memory_space<vmem>>, %arg9: memref<64x512xi32, #tpu.memory_space<vmem>>, %arg10: memref<64x512xi32, #tpu.memory_space<vmem>>, %arg11: memref<!tpu.dma_semaphore, #tpu.memory_space<semaphore_mem>>, %arg12: memref<!tpu.dma_semaphore, #tpu.memory_space<semaphore_mem>>) attributes {dimension_semantics = [#tpu.dimension_semantics<core_parallel>, #tpu.dimension_semantics<subcore_parallel>], iteration_bounds = array<i64: 2, 16>, scalar_prefetch = 0 : i64, scratch_operands = 6 : i64, tpu.core_type = #tpu.core_type<sc_vector_subcore>, window_params = [{transform_indices = #map}, {transform_indices = #map1}, {transform_indices = #map1}, {transform_indices = #map}, {transform_indices = #map}]} {
    %mul3A = arith.constant 2 : i32
    %mul3A_0 = arith.muli %arg1, %mul3A : i32
    %add3A = arith.addi %mul3A_0, %arg0 : i32
    %mul3A_1 = arith.constant 64 : i32
    %mul3A_2 = arith.muli %add3A, %mul3A_1 : i32
    %dma_start3A = tpu.memref_slice %arg3[%mul3A_2] : memref<2048xi32, #tpu.memory_space<hbm>> -> memref<64xi32, #tpu.memory_space<hbm>>
    %dma_start3A_3 = tpu.memref_slice %arg3[%mul3A_2] : memref<2048xi32, #tpu.memory_space<hbm>> -> memref<64xi32, #tpu.memory_space<hbm>>
    tpu.enqueue_dma source(%dma_start3A_3 : memref<64xi32, #tpu.memory_space<hbm>>) target(%arg7 : memref<64xi32, #tpu.memory_space<vmem>>) target_semaphore(%arg11 : memref<!tpu.dma_semaphore, #tpu.memory_space<semaphore_mem>>)
    %dma_start3A_4 = tpu.memref_slice %arg4[%mul3A_2] : memref<2048xi32, #tpu.memory_space<hbm>> -> memref<64xi32, #tpu.memory_space<hbm>>
    %dma_start3A_5 = tpu.memref_slice %arg4[%mul3A_2] : memref<2048xi32, #tpu.memory_space<hbm>> -> memref<64xi32, #tpu.memory_space<hbm>>
    tpu.enqueue_dma source(%dma_start3A_5 : memref<64xi32, #tpu.memory_space<hbm>>) target(%arg8 : memref<64xi32, #tpu.memory_space<vmem>>) target_semaphore(%arg12 : memref<!tpu.dma_semaphore, #tpu.memory_space<semaphore_mem>>)
    %dma_wait3A = tpu.memref_slice %arg3[%mul3A_2] : memref<2048xi32, #tpu.memory_space<hbm>> -> memref<64xi32, #tpu.memory_space<hbm>>
    %dma_wait3A_6 = tpu.memref_slice %arg3[%mul3A_2] : memref<2048xi32, #tpu.memory_space<hbm>> -> memref<64xi32, #tpu.memory_space<hbm>>
    tpu.wait_dma2 semaphore(%arg11 : memref<!tpu.dma_semaphore, #tpu.memory_space<semaphore_mem>>) src(%dma_wait3A_6 : memref<64xi32, #tpu.memory_space<hbm>>) dst(%arg7 : memref<64xi32, #tpu.memory_space<vmem>>)
    %dma_wait3A_7 = tpu.memref_slice %arg4[%mul3A_2] : memref<2048xi32, #tpu.memory_space<hbm>> -> memref<64xi32, #tpu.memory_space<hbm>>
    %dma_wait3A_8 = tpu.memref_slice %arg4[%mul3A_2] : memref<2048xi32, #tpu.memory_space<hbm>> -> memref<64xi32, #tpu.memory_space<hbm>>
    tpu.wait_dma2 semaphore(%arg12 : memref<!tpu.dma_semaphore, #tpu.memory_space<semaphore_mem>>) src(%dma_wait3A_8 : memref<64xi32, #tpu.memory_space<hbm>>) dst(%arg8 : memref<64xi32, #tpu.memory_space<vmem>>)
    %dma_start3A_9 = arith.constant 0 : i32
    %dma_start3A_10 = arith.constant 0 : i32
    %dma_start3A_11 = tpu.memref_slice %arg2[%dma_start3A_9, %dma_start3A_10] : memref<16384x512xi32, #tpu.memory_space<hbm>> -> memref<16384x512xi32, #tpu.memory_space<hbm>>
    tpu.enqueue_indirect_dma source(%dma_start3A_11 : memref<16384x512xi32, #tpu.memory_space<hbm>>) target(%arg9 : memref<64x512xi32, #tpu.memory_space<vmem>>) offsets(%arg7 : memref<64xi32, #tpu.memory_space<vmem>>) semaphore(%arg11 : memref<!tpu.dma_semaphore, #tpu.memory_space<semaphore_mem>>)
    %dma_start3A_12 = arith.constant 0 : i32
    %dma_start3A_13 = arith.constant 0 : i32
    %dma_start3A_14 = tpu.memref_slice %arg2[%dma_start3A_12, %dma_start3A_13] : memref<16384x512xi32, #tpu.memory_space<hbm>> -> memref<16384x512xi32, #tpu.memory_space<hbm>>
    tpu.enqueue_indirect_dma source(%dma_start3A_14 : memref<16384x512xi32, #tpu.memory_space<hbm>>) target(%arg10 : memref<64x512xi32, #tpu.memory_space<vmem>>) offsets(%arg8 : memref<64xi32, #tpu.memory_space<vmem>>) semaphore(%arg12 : memref<!tpu.dma_semaphore, #tpu.memory_space<semaphore_mem>>)
    %dma_wait3A_15 = arith.constant 0 : i32
    %dma_wait3A_16 = arith.constant 0 : i32
    %dma_wait3A_17 = tpu.memref_slice %arg2[%dma_wait3A_15, %dma_wait3A_16] : memref<16384x512xi32, #tpu.memory_space<hbm>> -> memref<16384x512xi32, #tpu.memory_space<hbm>>
    tpu.wait_indirect_dma semaphore(%arg11 : memref<!tpu.dma_semaphore, #tpu.memory_space<semaphore_mem>>) src(%dma_wait3A_17 : memref<16384x512xi32, #tpu.memory_space<hbm>>) dst(%arg9 : memref<64x512xi32, #tpu.memory_space<vmem>>)
    %dma_wait3A_18 = arith.constant 0 : i32
    %dma_wait3A_19 = arith.constant 0 : i32
    %dma_wait3A_20 = tpu.memref_slice %arg2[%dma_wait3A_18, %dma_wait3A_19] : memref<16384x512xi32, #tpu.memory_space<hbm>> -> memref<16384x512xi32, #tpu.memory_space<hbm>>
    tpu.wait_indirect_dma semaphore(%arg12 : memref<!tpu.dma_semaphore, #tpu.memory_space<semaphore_mem>>) src(%dma_wait3A_20 : memref<16384x512xi32, #tpu.memory_space<hbm>>) dst(%arg10 : memref<64x512xi32, #tpu.memory_space<vmem>>)
    %dma_start3A_21 = arith.constant 0 : i32
    %dma_start3A_22 = tpu.memref_slice %arg5[%mul3A_2, %dma_start3A_21] : memref<2048x512xi32, #tpu.memory_space<hbm>> -> memref<64x512xi32, #tpu.memory_space<hbm>>
    %dma_start3A_23 = arith.constant 0 : i32
    %dma_start3A_24 = tpu.memref_slice %arg5[%mul3A_2, %dma_start3A_23] : memref<2048x512xi32, #tpu.memory_space<hbm>> -> memref<64x512xi32, #tpu.memory_space<hbm>>
    tpu.enqueue_dma source(%arg9 : memref<64x512xi32, #tpu.memory_space<vmem>>) target(%dma_start3A_24 : memref<64x512xi32, #tpu.memory_space<hbm>>) target_semaphore(%arg11 : memref<!tpu.dma_semaphore, #tpu.memory_space<semaphore_mem>>)
    %dma_start3A_25 = arith.constant 0 : i32
    %dma_start3A_26 = tpu.memref_slice %arg6[%mul3A_2, %dma_start3A_25] : memref<2048x512xi32, #tpu.memory_space<hbm>> -> memref<64x512xi32, #tpu.memory_space<hbm>>
    %dma_start3A_27 = arith.constant 0 : i32
    %dma_start3A_28 = tpu.memref_slice %arg6[%mul3A_2, %dma_start3A_27] : memref<2048x512xi32, #tpu.memory_space<hbm>> -> memref<64x512xi32, #tpu.memory_space<hbm>>
    tpu.enqueue_dma source(%arg10 : memref<64x512xi32, #tpu.memory_space<vmem>>) target(%dma_start3A_28 : memref<64x512xi32, #tpu.memory_space<hbm>>) target_semaphore(%arg12 : memref<!tpu.dma_semaphore, #tpu.memory_space<semaphore_mem>>)
    %dma_wait3A_29 = arith.constant 0 : i32
    %dma_wait3A_30 = tpu.memref_slice %arg5[%mul3A_2, %dma_wait3A_29] : memref<2048x512xi32, #tpu.memory_space<hbm>> -> memref<64x512xi32, #tpu.memory_space<hbm>>
    %dma_wait3A_31 = arith.constant 0 : i32
    %dma_wait3A_32 = tpu.memref_slice %arg5[%mul3A_2, %dma_wait3A_31] : memref<2048x512xi32, #tpu.memory_space<hbm>> -> memref<64x512xi32, #tpu.memory_space<hbm>>
    tpu.wait_dma2 semaphore(%arg11 : memref<!tpu.dma_semaphore, #tpu.memory_space<semaphore_mem>>) src(%arg9 : memref<64x512xi32, #tpu.memory_space<vmem>>) dst(%dma_wait3A_32 : memref<64x512xi32, #tpu.memory_space<hbm>>)
    %dma_wait3A_33 = arith.constant 0 : i32
    %dma_wait3A_34 = tpu.memref_slice %arg6[%mul3A_2, %dma_wait3A_33] : memref<2048x512xi32, #tpu.memory_space<hbm>> -> memref<64x512xi32, #tpu.memory_space<hbm>>
    %dma_wait3A_35 = arith.constant 0 : i32
    %dma_wait3A_36 = tpu.memref_slice %arg6[%mul3A_2, %dma_wait3A_35] : memref<2048x512xi32, #tpu.memory_space<hbm>> -> memref<64x512xi32, #tpu.memory_space<hbm>>
    tpu.wait_dma2 semaphore(%arg12 : memref<!tpu.dma_semaphore, #tpu.memory_space<semaphore_mem>>) src(%arg10 : memref<64x512xi32, #tpu.memory_space<vmem>>) dst(%dma_wait3A_36 : memref<64x512xi32, #tpu.memory_space<hbm>>)
    return
  }
}

#map = affine_map<(d0, d1) -> (0, 0)>
#map1 = affine_map<(d0, d1) -> (0)>
module attributes {stable_mosaic.version = 14 : i64} {
  func.func @body(%arg0: i32, %arg1: i32, %arg2: memref<2048x512xi32, #tpu.memory_space<hbm>>, %arg3: memref<2048xi32, #tpu.memory_space<hbm>>, %arg4: memref<2048xi32, #tpu.memory_space<hbm>>, %arg5: memref<18432x512xi32, #tpu.memory_space<hbm>>, %arg6: memref<64xi32, #tpu.memory_space<vmem>>, %arg7: memref<64xi32, #tpu.memory_space<vmem>>, %arg8: memref<64x512xi32, #tpu.memory_space<vmem>>, %arg9: memref<!tpu.dma_semaphore, #tpu.memory_space<semaphore_mem>>, %arg10: memref<!tpu.dma_semaphore, #tpu.memory_space<semaphore_mem>>, %arg11: memref<!tpu.dma_semaphore, #tpu.memory_space<semaphore_mem>>) attributes {dimension_semantics = [#tpu.dimension_semantics<core_parallel>, #tpu.dimension_semantics<subcore_parallel>], iteration_bounds = array<i64: 2, 16>, scalar_prefetch = 0 : i64, scratch_operands = 6 : i64, tpu.core_type = #tpu.core_type<sc_vector_subcore>, window_params = [{transform_indices = #map}, {transform_indices = #map1}, {transform_indices = #map1}, {transform_indices = #map}]} {
    %mul3A = arith.constant 2 : i32
    %mul3A_0 = arith.muli %arg1, %mul3A : i32
    %add3A = arith.addi %mul3A_0, %arg0 : i32
    %mul3A_1 = arith.constant 64 : i32
    %mul3A_2 = arith.muli %add3A, %mul3A_1 : i32
    %dma_start3A = tpu.memref_slice %arg3[%mul3A_2] : memref<2048xi32, #tpu.memory_space<hbm>> -> memref<64xi32, #tpu.memory_space<hbm>>
    %dma_start3A_3 = tpu.memref_slice %arg3[%mul3A_2] : memref<2048xi32, #tpu.memory_space<hbm>> -> memref<64xi32, #tpu.memory_space<hbm>>
    tpu.enqueue_dma source(%dma_start3A_3 : memref<64xi32, #tpu.memory_space<hbm>>) target(%arg6 : memref<64xi32, #tpu.memory_space<vmem>>) target_semaphore(%arg9 : memref<!tpu.dma_semaphore, #tpu.memory_space<semaphore_mem>>)
    %dma_start3A_4 = tpu.memref_slice %arg4[%mul3A_2] : memref<2048xi32, #tpu.memory_space<hbm>> -> memref<64xi32, #tpu.memory_space<hbm>>
    %dma_start3A_5 = tpu.memref_slice %arg4[%mul3A_2] : memref<2048xi32, #tpu.memory_space<hbm>> -> memref<64xi32, #tpu.memory_space<hbm>>
    tpu.enqueue_dma source(%dma_start3A_5 : memref<64xi32, #tpu.memory_space<hbm>>) target(%arg7 : memref<64xi32, #tpu.memory_space<vmem>>) target_semaphore(%arg10 : memref<!tpu.dma_semaphore, #tpu.memory_space<semaphore_mem>>)
    %dma_start3A_6 = arith.constant 0 : i32
    %dma_start3A_7 = tpu.memref_slice %arg2[%mul3A_2, %dma_start3A_6] : memref<2048x512xi32, #tpu.memory_space<hbm>> -> memref<64x512xi32, #tpu.memory_space<hbm>>
    %dma_start3A_8 = arith.constant 0 : i32
    %dma_start3A_9 = tpu.memref_slice %arg2[%mul3A_2, %dma_start3A_8] : memref<2048x512xi32, #tpu.memory_space<hbm>> -> memref<64x512xi32, #tpu.memory_space<hbm>>
    tpu.enqueue_dma source(%dma_start3A_9 : memref<64x512xi32, #tpu.memory_space<hbm>>) target(%arg8 : memref<64x512xi32, #tpu.memory_space<vmem>>) target_semaphore(%arg11 : memref<!tpu.dma_semaphore, #tpu.memory_space<semaphore_mem>>)
    %dma_wait3A = tpu.memref_slice %arg3[%mul3A_2] : memref<2048xi32, #tpu.memory_space<hbm>> -> memref<64xi32, #tpu.memory_space<hbm>>
    %dma_wait3A_10 = tpu.memref_slice %arg3[%mul3A_2] : memref<2048xi32, #tpu.memory_space<hbm>> -> memref<64xi32, #tpu.memory_space<hbm>>
    tpu.wait_dma2 semaphore(%arg9 : memref<!tpu.dma_semaphore, #tpu.memory_space<semaphore_mem>>) src(%dma_wait3A_10 : memref<64xi32, #tpu.memory_space<hbm>>) dst(%arg6 : memref<64xi32, #tpu.memory_space<vmem>>)
    %dma_wait3A_11 = tpu.memref_slice %arg4[%mul3A_2] : memref<2048xi32, #tpu.memory_space<hbm>> -> memref<64xi32, #tpu.memory_space<hbm>>
    %dma_wait3A_12 = tpu.memref_slice %arg4[%mul3A_2] : memref<2048xi32, #tpu.memory_space<hbm>> -> memref<64xi32, #tpu.memory_space<hbm>>
    tpu.wait_dma2 semaphore(%arg10 : memref<!tpu.dma_semaphore, #tpu.memory_space<semaphore_mem>>) src(%dma_wait3A_12 : memref<64xi32, #tpu.memory_space<hbm>>) dst(%arg7 : memref<64xi32, #tpu.memory_space<vmem>>)
    %dma_wait3A_13 = arith.constant 0 : i32
    %dma_wait3A_14 = tpu.memref_slice %arg2[%mul3A_2, %dma_wait3A_13] : memref<2048x512xi32, #tpu.memory_space<hbm>> -> memref<64x512xi32, #tpu.memory_space<hbm>>
    %dma_wait3A_15 = arith.constant 0 : i32
    %dma_wait3A_16 = tpu.memref_slice %arg2[%mul3A_2, %dma_wait3A_15] : memref<2048x512xi32, #tpu.memory_space<hbm>> -> memref<64x512xi32, #tpu.memory_space<hbm>>
    tpu.wait_dma2 semaphore(%arg11 : memref<!tpu.dma_semaphore, #tpu.memory_space<semaphore_mem>>) src(%dma_wait3A_16 : memref<64x512xi32, #tpu.memory_space<hbm>>) dst(%arg8 : memref<64x512xi32, #tpu.memory_space<vmem>>)
    %dma_start3A_17 = arith.constant 0 : i32
    %dma_start3A_18 = arith.constant 0 : i32
    %dma_start3A_19 = tpu.memref_slice %arg5[%dma_start3A_17, %dma_start3A_18] : memref<18432x512xi32, #tpu.memory_space<hbm>> -> memref<18432x512xi32, #tpu.memory_space<hbm>>
    tpu.enqueue_indirect_dma source(%arg8 : memref<64x512xi32, #tpu.memory_space<vmem>>) target(%dma_start3A_19 : memref<18432x512xi32, #tpu.memory_space<hbm>>) offsets(%arg6 : memref<64xi32, #tpu.memory_space<vmem>>) semaphore(%arg9 : memref<!tpu.dma_semaphore, #tpu.memory_space<semaphore_mem>>)
    %dma_start3A_20 = arith.constant 0 : i32
    %dma_start3A_21 = arith.constant 0 : i32
    %dma_start3A_22 = tpu.memref_slice %arg5[%dma_start3A_20, %dma_start3A_21] : memref<18432x512xi32, #tpu.memory_space<hbm>> -> memref<18432x512xi32, #tpu.memory_space<hbm>>
    tpu.enqueue_indirect_dma source(%arg8 : memref<64x512xi32, #tpu.memory_space<vmem>>) target(%dma_start3A_22 : memref<18432x512xi32, #tpu.memory_space<hbm>>) offsets(%arg7 : memref<64xi32, #tpu.memory_space<vmem>>) semaphore(%arg10 : memref<!tpu.dma_semaphore, #tpu.memory_space<semaphore_mem>>)
    %dma_wait3A_23 = arith.constant 0 : i32
    %dma_wait3A_24 = arith.constant 0 : i32
    %dma_wait3A_25 = tpu.memref_slice %arg5[%dma_wait3A_23, %dma_wait3A_24] : memref<18432x512xi32, #tpu.memory_space<hbm>> -> memref<18432x512xi32, #tpu.memory_space<hbm>>
    tpu.wait_indirect_dma semaphore(%arg9 : memref<!tpu.dma_semaphore, #tpu.memory_space<semaphore_mem>>) src(%arg8 : memref<64x512xi32, #tpu.memory_space<vmem>>) dst(%dma_wait3A_25 : memref<18432x512xi32, #tpu.memory_space<hbm>>)
    %dma_wait3A_26 = arith.constant 0 : i32
    %dma_wait3A_27 = arith.constant 0 : i32
    %dma_wait3A_28 = tpu.memref_slice %arg5[%dma_wait3A_26, %dma_wait3A_27] : memref<18432x512xi32, #tpu.memory_space<hbm>> -> memref<18432x512xi32, #tpu.memory_space<hbm>>
    tpu.wait_indirect_dma semaphore(%arg10 : memref<!tpu.dma_semaphore, #tpu.memory_space<semaphore_mem>>) src(%arg8 : memref<64x512xi32, #tpu.memory_space<vmem>>) dst(%dma_wait3A_28 : memref<18432x512xi32, #tpu.memory_space<hbm>>)
    return
  }
}

module attributes {stable_mosaic.version = 14 : i64} {
  func.func @_post_body(%arg0: i32, %arg1: memref<256x1024xf32, #tpu.memory_space<vmem>>, %arg2: memref<16x256x64xbf16, #tpu.memory_space<vmem>>, %arg3: memref<1024x1024xf32, #tpu.memory_space<vmem>>, %arg4: memref<1x1024xf32, #tpu.memory_space<vmem>>, %arg5: memref<64x1024xf32, #tpu.memory_space<vmem>>, %arg6: memref<256x1024xf32, #tpu.memory_space<vmem>>, %arg7: memref<256x512xi32, #tpu.memory_space<vmem>>, %arg8: memref<256x8xf32, #tpu.memory_space<vmem>>, %arg9: memref<8x64xf32, #tpu.memory_space<vmem>>, %arg10: memref<1024x1024xbf16, #tpu.memory_space<vmem>>) attributes {dimension_semantics = [#tpu.dimension_semantics<arbitrary>], iteration_bounds = array<i64: 8>, scalar_prefetch = 0 : i64, scratch_operands = 2 : i64, tpu.core_type = #tpu.core_type<tc>, window_params = [{transform_indices = @transform_0, window_bounds = array<i64: 256, 1024>}, {transform_indices = @transform_1, window_bounds = array<i64: 16, 256, 64>}, {pipeline_mode = #tpu.pipeline_mode<synchronous>, transform_indices = @transform_2, window_bounds = array<i64: 1024, 1024>}, {pipeline_mode = #tpu.pipeline_mode<synchronous>, transform_indices = @transform_3, window_bounds = array<i64: 1, 1024>}, {pipeline_mode = #tpu.pipeline_mode<synchronous>, transform_indices = @transform_4, window_bounds = array<i64: 64, 1024>}, {transform_indices = @transform_5, window_bounds = array<i64: 256, 1024>}, {transform_indices = @transform_6, window_bounds = array<i64: 256, 512>}, {transform_indices = @transform_7, window_bounds = array<i64: 256, 8>}]} {
    %eq3A = arith.constant 0 : i32
    %eq3A_0 = arith.cmpi eq, %arg0, %eq3A : i32
    %convert_element_type3A = arith.extui %eq3A_0 : i1 to i32
    %cond3A = arith.constant 0 : i32
    %cond3A_1 = arith.cmpi ne, %convert_element_type3A, %cond3A : i32
    scf.if %cond3A_1 {
      %broadcast_in_dim3A_325 = arith.constant 0.000000e+00 : f32
      %broadcast_in_dim3A_326 = vector.broadcast %broadcast_in_dim3A_325 : f32 to vector<8x64xf32>
      %swap3A_327 = arith.constant 0 : index
      %swap3A_328 = arith.constant 0 : index
      %swap3A_329 = vector.load %arg9[%swap3A_327, %swap3A_328] : memref<8x64xf32, #tpu.memory_space<vmem>>, vector<8x64xf32>
      tpu.vector_store %arg9[%swap3A_327, %swap3A_328], %broadcast_in_dim3A_326 {strides = array<i32>} : memref<8x64xf32, #tpu.memory_space<vmem>>, vector<8x64xf32>,
      %get3A_330 = arith.constant 0 : index
      %get3A_331 = arith.constant 0 : index
      %get3A_332 = vector.load %arg3[%get3A_330, %get3A_331] : memref<1024x1024xf32, #tpu.memory_space<vmem>>, vector<1024x1024xf32>
      %convert_element_type3A_333 = arith.truncf %get3A_332 : vector<1024x1024xf32> to vector<1024x1024xbf16>
      %swap3A_334 = arith.constant 0 : index
      %swap3A_335 = arith.constant 0 : index
      %swap3A_336 = vector.load %arg10[%swap3A_334, %swap3A_335] : memref<1024x1024xbf16, #tpu.memory_space<vmem>>, vector<1024x1024xbf16>
      tpu.vector_store %arg10[%swap3A_334, %swap3A_335], %convert_element_type3A_333 {strides = array<i32>} : memref<1024x1024xbf16, #tpu.memory_space<vmem>>, vector<1024x1024xbf16>,
    } else {
    }
    %get3A = arith.constant 0 : index
    %get3A_2 = arith.constant 0 : index
    %get3A_3 = arith.constant 0 : index
    %get3A_4 = vector.load %arg2[%get3A, %get3A_2, %get3A_3] : memref<16x256x64xbf16, #tpu.memory_space<vmem>>, vector<1x256x64xbf16>
    %get3A_5 = vector.shape_cast %get3A_4 : vector<1x256x64xbf16> to vector<256x64xbf16>
    %get3A_6 = arith.constant 0 : index
    %get3A_7 = arith.constant 0 : index
    %get3A_8 = vector.load %arg10[%get3A_6, %get3A_7] : memref<1024x1024xbf16, #tpu.memory_space<vmem>>, vector<1024x64xbf16>
    %dot_general3A = arith.constant dense<0.000000e+00> : vector<256x1024xf32>
    %dot_general3A_9 = tpu.matmul %get3A_5, %get3A_8, %dot_general3A {dimension_numbers = #tpu.dot_dimension_numbers<[1], [1], [0], [0], [0, 0, 1, 0], [], []>, transpose_lhs_hint = false} : vector<256x64xbf16>, vector<1024x64xbf16>, vector<256x1024xf32> -> vector<256x1024xf32>
    %get3A_10 = arith.constant 1 : index
    %get3A_11 = arith.constant 0 : index
    %get3A_12 = arith.constant 0 : index
    %get3A_13 = vector.load %arg2[%get3A_10, %get3A_11, %get3A_12] : memref<16x256x64xbf16, #tpu.memory_space<vmem>>, vector<1x256x64xbf16>
    %get3A_14 = vector.shape_cast %get3A_13 : vector<1x256x64xbf16> to vector<256x64xbf16>
    %get3A_15 = arith.constant 0 : index
    %get3A_16 = arith.constant 64 : index
    %get3A_17 = vector.load %arg10[%get3A_15, %get3A_16] : memref<1024x1024xbf16, #tpu.memory_space<vmem>>, vector<1024x64xbf16>
    %dot_general3A_18 = arith.constant dense<0.000000e+00> : vector<256x1024xf32>
    %dot_general3A_19 = tpu.matmul %get3A_14, %get3A_17, %dot_general3A_18 {dimension_numbers = #tpu.dot_dimension_numbers<[1], [1], [0], [0], [0, 0, 1, 0], [], []>, transpose_lhs_hint = false} : vector<256x64xbf16>, vector<1024x64xbf16>, vector<256x1024xf32> -> vector<256x1024xf32>
    %add3A = arith.addf %dot_general3A_9, %dot_general3A_19 : vector<256x1024xf32>
    %get3A_20 = arith.constant 2 : index
    %get3A_21 = arith.constant 0 : index
    %get3A_22 = arith.constant 0 : index
    %get3A_23 = vector.load %arg2[%get3A_20, %get3A_21, %get3A_22] : memref<16x256x64xbf16, #tpu.memory_space<vmem>>, vector<1x256x64xbf16>
    %get3A_24 = vector.shape_cast %get3A_23 : vector<1x256x64xbf16> to vector<256x64xbf16>
    %get3A_25 = arith.constant 0 : index
    %get3A_26 = arith.constant 128 : index
    %get3A_27 = vector.load %arg10[%get3A_25, %get3A_26] : memref<1024x1024xbf16, #tpu.memory_space<vmem>>, vector<1024x64xbf16>
    %dot_general3A_28 = arith.constant dense<0.000000e+00> : vector<256x1024xf32>
    %dot_general3A_29 = tpu.matmul %get3A_24, %get3A_27, %dot_general3A_28 {dimension_numbers = #tpu.dot_dimension_numbers<[1], [1], [0], [0], [0, 0, 1, 0], [], []>, transpose_lhs_hint = false} : vector<256x64xbf16>, vector<1024x64xbf16>, vector<256x1024xf32> -> vector<256x1024xf32>
    %add3A_30 = arith.addf %add3A, %dot_general3A_29 : vector<256x1024xf32>
    %get3A_31 = arith.constant 3 : index
    %get3A_32 = arith.constant 0 : index
    %get3A_33 = arith.constant 0 : index
    %get3A_34 = vector.load %arg2[%get3A_31, %get3A_32, %get3A_33] : memref<16x256x64xbf16, #tpu.memory_space<vmem>>, vector<1x256x64xbf16>
    %get3A_35 = vector.shape_cast %get3A_34 : vector<1x256x64xbf16> to vector<256x64xbf16>
    %get3A_36 = arith.constant 0 : index
    %get3A_37 = arith.constant 192 : index
    %get3A_38 = vector.load %arg10[%get3A_36, %get3A_37] : memref<1024x1024xbf16, #tpu.memory_space<vmem>>, vector<1024x64xbf16>
    %dot_general3A_39 = arith.constant dense<0.000000e+00> : vector<256x1024xf32>
    %dot_general3A_40 = tpu.matmul %get3A_35, %get3A_38, %dot_general3A_39 {dimension_numbers = #tpu.dot_dimension_numbers<[1], [1], [0], [0], [0, 0, 1, 0], [], []>, transpose_lhs_hint = false} : vector<256x64xbf16>, vector<1024x64xbf16>, vector<256x1024xf32> -> vector<256x1024xf32>
    %add3A_41 = arith.addf %add3A_30, %dot_general3A_40 : vector<256x1024xf32>
    %get3A_42 = arith.constant 4 : index
    %get3A_43 = arith.constant 0 : index
    %get3A_44 = arith.constant 0 : index
    %get3A_45 = vector.load %arg2[%get3A_42, %get3A_43, %get3A_44] : memref<16x256x64xbf16, #tpu.memory_space<vmem>>, vector<1x256x64xbf16>
    %get3A_46 = vector.shape_cast %get3A_45 : vector<1x256x64xbf16> to vector<256x64xbf16>
    %get3A_47 = arith.constant 0 : index
    %get3A_48 = arith.constant 256 : index
    %get3A_49 = vector.load %arg10[%get3A_47, %get3A_48] : memref<1024x1024xbf16, #tpu.memory_space<vmem>>, vector<1024x64xbf16>
    %dot_general3A_50 = arith.constant dense<0.000000e+00> : vector<256x1024xf32>
    %dot_general3A_51 = tpu.matmul %get3A_46, %get3A_49, %dot_general3A_50 {dimension_numbers = #tpu.dot_dimension_numbers<[1], [1], [0], [0], [0, 0, 1, 0], [], []>, transpose_lhs_hint = false} : vector<256x64xbf16>, vector<1024x64xbf16>, vector<256x1024xf32> -> vector<256x1024xf32>
    %add3A_52 = arith.addf %add3A_41, %dot_general3A_51 : vector<256x1024xf32>
    %get3A_53 = arith.constant 5 : index
    %get3A_54 = arith.constant 0 : index
    %get3A_55 = arith.constant 0 : index
    %get3A_56 = vector.load %arg2[%get3A_53, %get3A_54, %get3A_55] : memref<16x256x64xbf16, #tpu.memory_space<vmem>>, vector<1x256x64xbf16>
    %get3A_57 = vector.shape_cast %get3A_56 : vector<1x256x64xbf16> to vector<256x64xbf16>
    %get3A_58 = arith.constant 0 : index
    %get3A_59 = arith.constant 320 : index
    %get3A_60 = vector.load %arg10[%get3A_58, %get3A_59] : memref<1024x1024xbf16, #tpu.memory_space<vmem>>, vector<1024x64xbf16>
    %dot_general3A_61 = arith.constant dense<0.000000e+00> : vector<256x1024xf32>
    %dot_general3A_62 = tpu.matmul %get3A_57, %get3A_60, %dot_general3A_61 {dimension_numbers = #tpu.dot_dimension_numbers<[1], [1], [0], [0], [0, 0, 1, 0], [], []>, transpose_lhs_hint = false} : vector<256x64xbf16>, vector<1024x64xbf16>, vector<256x1024xf32> -> vector<256x1024xf32>
    %add3A_63 = arith.addf %add3A_52, %dot_general3A_62 : vector<256x1024xf32>
    %get3A_64 = arith.constant 6 : index
    %get3A_65 = arith.constant 0 : index
    %get3A_66 = arith.constant 0 : index
    %get3A_67 = vector.load %arg2[%get3A_64, %get3A_65, %get3A_66] : memref<16x256x64xbf16, #tpu.memory_space<vmem>>, vector<1x256x64xbf16>
    %get3A_68 = vector.shape_cast %get3A_67 : vector<1x256x64xbf16> to vector<256x64xbf16>
    %get3A_69 = arith.constant 0 : index
    %get3A_70 = arith.constant 384 : index
    %get3A_71 = vector.load %arg10[%get3A_69, %get3A_70] : memref<1024x1024xbf16, #tpu.memory_space<vmem>>, vector<1024x64xbf16>
    %dot_general3A_72 = arith.constant dense<0.000000e+00> : vector<256x1024xf32>
    %dot_general3A_73 = tpu.matmul %get3A_68, %get3A_71, %dot_general3A_72 {dimension_numbers = #tpu.dot_dimension_numbers<[1], [1], [0], [0], [0, 0, 1, 0], [], []>, transpose_lhs_hint = false} : vector<256x64xbf16>, vector<1024x64xbf16>, vector<256x1024xf32> -> vector<256x1024xf32>
    %add3A_74 = arith.addf %add3A_63, %dot_general3A_73 : vector<256x1024xf32>
    %get3A_75 = arith.constant 7 : index
    %get3A_76 = arith.constant 0 : index
    %get3A_77 = arith.constant 0 : index
    %get3A_78 = vector.load %arg2[%get3A_75, %get3A_76, %get3A_77] : memref<16x256x64xbf16, #tpu.memory_space<vmem>>, vector<1x256x64xbf16>
    %get3A_79 = vector.shape_cast %get3A_78 : vector<1x256x64xbf16> to vector<256x64xbf16>
    %get3A_80 = arith.constant 0 : index
    %get3A_81 = arith.constant 448 : index
    %get3A_82 = vector.load %arg10[%get3A_80, %get3A_81] : memref<1024x1024xbf16, #tpu.memory_space<vmem>>, vector<1024x64xbf16>
    %dot_general3A_83 = arith.constant dense<0.000000e+00> : vector<256x1024xf32>
    %dot_general3A_84 = tpu.matmul %get3A_79, %get3A_82, %dot_general3A_83 {dimension_numbers = #tpu.dot_dimension_numbers<[1], [1], [0], [0], [0, 0, 1, 0], [], []>, transpose_lhs_hint = false} : vector<256x64xbf16>, vector<1024x64xbf16>, vector<256x1024xf32> -> vector<256x1024xf32>
    %add3A_85 = arith.addf %add3A_74, %dot_general3A_84 : vector<256x1024xf32>
    %get3A_86 = arith.constant 8 : index
    %get3A_87 = arith.constant 0 : index
    %get3A_88 = arith.constant 0 : index
    %get3A_89 = vector.load %arg2[%get3A_86, %get3A_87, %get3A_88] : memref<16x256x64xbf16, #tpu.memory_space<vmem>>, vector<1x256x64xbf16>
    %get3A_90 = vector.shape_cast %get3A_89 : vector<1x256x64xbf16> to vector<256x64xbf16>
    %get3A_91 = arith.constant 0 : index
    %get3A_92 = arith.constant 512 : index
    %get3A_93 = vector.load %arg10[%get3A_91, %get3A_92] : memref<1024x1024xbf16, #tpu.memory_space<vmem>>, vector<1024x64xbf16>
    %dot_general3A_94 = arith.constant dense<0.000000e+00> : vector<256x1024xf32>
    %dot_general3A_95 = tpu.matmul %get3A_90, %get3A_93, %dot_general3A_94 {dimension_numbers = #tpu.dot_dimension_numbers<[1], [1], [0], [0], [0, 0, 1, 0], [], []>, transpose_lhs_hint = false} : vector<256x64xbf16>, vector<1024x64xbf16>, vector<256x1024xf32> -> vector<256x1024xf32>
    %add3A_96 = arith.addf %add3A_85, %dot_general3A_95 : vector<256x1024xf32>
    %get3A_97 = arith.constant 9 : index
    %get3A_98 = arith.constant 0 : index
    %get3A_99 = arith.constant 0 : index
    %get3A_100 = vector.load %arg2[%get3A_97, %get3A_98, %get3A_99] : memref<16x256x64xbf16, #tpu.memory_space<vmem>>, vector<1x256x64xbf16>
    %get3A_101 = vector.shape_cast %get3A_100 : vector<1x256x64xbf16> to vector<256x64xbf16>
    %get3A_102 = arith.constant 0 : index
    %get3A_103 = arith.constant 576 : index
    %get3A_104 = vector.load %arg10[%get3A_102, %get3A_103] : memref<1024x1024xbf16, #tpu.memory_space<vmem>>, vector<1024x64xbf16>
    %dot_general3A_105 = arith.constant dense<0.000000e+00> : vector<256x1024xf32>
    %dot_general3A_106 = tpu.matmul %get3A_101, %get3A_104, %dot_general3A_105 {dimension_numbers = #tpu.dot_dimension_numbers<[1], [1], [0], [0], [0, 0, 1, 0], [], []>, transpose_lhs_hint = false} : vector<256x64xbf16>, vector<1024x64xbf16>, vector<256x1024xf32> -> vector<256x1024xf32>
    %add3A_107 = arith.addf %add3A_96, %dot_general3A_106 : vector<256x1024xf32>
    %get3A_108 = arith.constant 10 : index
    %get3A_109 = arith.constant 0 : index
    %get3A_110 = arith.constant 0 : index
    %get3A_111 = vector.load %arg2[%get3A_108, %get3A_109, %get3A_110] : memref<16x256x64xbf16, #tpu.memory_space<vmem>>, vector<1x256x64xbf16>
    %get3A_112 = vector.shape_cast %get3A_111 : vector<1x256x64xbf16> to vector<256x64xbf16>
    %get3A_113 = arith.constant 0 : index
    %get3A_114 = arith.constant 640 : index
    %get3A_115 = vector.load %arg10[%get3A_113, %get3A_114] : memref<1024x1024xbf16, #tpu.memory_space<vmem>>, vector<1024x64xbf16>
    %dot_general3A_116 = arith.constant dense<0.000000e+00> : vector<256x1024xf32>
    %dot_general3A_117 = tpu.matmul %get3A_112, %get3A_115, %dot_general3A_116 {dimension_numbers = #tpu.dot_dimension_numbers<[1], [1], [0], [0], [0, 0, 1, 0], [], []>, transpose_lhs_hint = false} : vector<256x64xbf16>, vector<1024x64xbf16>, vector<256x1024xf32> -> vector<256x1024xf32>
    %add3A_118 = arith.addf %add3A_107, %dot_general3A_117 : vector<256x1024xf32>
    %get3A_119 = arith.constant 11 : index
    %get3A_120 = arith.constant 0 : index
    %get3A_121 = arith.constant 0 : index
    %get3A_122 = vector.load %arg2[%get3A_119, %get3A_120, %get3A_121] : memref<16x256x64xbf16, #tpu.memory_space<vmem>>, vector<1x256x64xbf16>
    %get3A_123 = vector.shape_cast %get3A_122 : vector<1x256x64xbf16> to vector<256x64xbf16>
    %get3A_124 = arith.constant 0 : index
    %get3A_125 = arith.constant 704 : index
    %get3A_126 = vector.load %arg10[%get3A_124, %get3A_125] : memref<1024x1024xbf16, #tpu.memory_space<vmem>>, vector<1024x64xbf16>
    %dot_general3A_127 = arith.constant dense<0.000000e+00> : vector<256x1024xf32>
    %dot_general3A_128 = tpu.matmul %get3A_123, %get3A_126, %dot_general3A_127 {dimension_numbers = #tpu.dot_dimension_numbers<[1], [1], [0], [0], [0, 0, 1, 0], [], []>, transpose_lhs_hint = false} : vector<256x64xbf16>, vector<1024x64xbf16>, vector<256x1024xf32> -> vector<256x1024xf32>
    %add3A_129 = arith.addf %add3A_118, %dot_general3A_128 : vector<256x1024xf32>
    %get3A_130 = arith.constant 12 : index
    %get3A_131 = arith.constant 0 : index
    %get3A_132 = arith.constant 0 : index
    %get3A_133 = vector.load %arg2[%get3A_130, %get3A_131, %get3A_132] : memref<16x256x64xbf16, #tpu.memory_space<vmem>>, vector<1x256x64xbf16>
    %get3A_134 = vector.shape_cast %get3A_133 : vector<1x256x64xbf16> to vector<256x64xbf16>
    %get3A_135 = arith.constant 0 : index
    %get3A_136 = arith.constant 768 : index
    %get3A_137 = vector.load %arg10[%get3A_135, %get3A_136] : memref<1024x1024xbf16, #tpu.memory_space<vmem>>, vector<1024x64xbf16>
    %dot_general3A_138 = arith.constant dense<0.000000e+00> : vector<256x1024xf32>
    %dot_general3A_139 = tpu.matmul %get3A_134, %get3A_137, %dot_general3A_138 {dimension_numbers = #tpu.dot_dimension_numbers<[1], [1], [0], [0], [0, 0, 1, 0], [], []>, transpose_lhs_hint = false} : vector<256x64xbf16>, vector<1024x64xbf16>, vector<256x1024xf32> -> vector<256x1024xf32>
    %add3A_140 = arith.addf %add3A_129, %dot_general3A_139 : vector<256x1024xf32>
    %get3A_141 = arith.constant 13 : index
    %get3A_142 = arith.constant 0 : index
    %get3A_143 = arith.constant 0 : index
    %get3A_144 = vector.load %arg2[%get3A_141, %get3A_142, %get3A_143] : memref<16x256x64xbf16, #tpu.memory_space<vmem>>, vector<1x256x64xbf16>
    %get3A_145 = vector.shape_cast %get3A_144 : vector<1x256x64xbf16> to vector<256x64xbf16>
    %get3A_146 = arith.constant 0 : index
    %get3A_147 = arith.constant 832 : index
    %get3A_148 = vector.load %arg10[%get3A_146, %get3A_147] : memref<1024x1024xbf16, #tpu.memory_space<vmem>>, vector<1024x64xbf16>
    %dot_general3A_149 = arith.constant dense<0.000000e+00> : vector<256x1024xf32>
    %dot_general3A_150 = tpu.matmul %get3A_145, %get3A_148, %dot_general3A_149 {dimension_numbers = #tpu.dot_dimension_numbers<[1], [1], [0], [0], [0, 0, 1, 0], [], []>, transpose_lhs_hint = false} : vector<256x64xbf16>, vector<1024x64xbf16>, vector<256x1024xf32> -> vector<256x1024xf32>
    %add3A_151 = arith.addf %add3A_140, %dot_general3A_150 : vector<256x1024xf32>
    %get3A_152 = arith.constant 14 : index
    %get3A_153 = arith.constant 0 : index
    %get3A_154 = arith.constant 0 : index
    %get3A_155 = vector.load %arg2[%get3A_152, %get3A_153, %get3A_154] : memref<16x256x64xbf16, #tpu.memory_space<vmem>>, vector<1x256x64xbf16>
    %get3A_156 = vector.shape_cast %get3A_155 : vector<1x256x64xbf16> to vector<256x64xbf16>
    %get3A_157 = arith.constant 0 : index
    %get3A_158 = arith.constant 896 : index
    %get3A_159 = vector.load %arg10[%get3A_157, %get3A_158] : memref<1024x1024xbf16, #tpu.memory_space<vmem>>, vector<1024x64xbf16>
    %dot_general3A_160 = arith.constant dense<0.000000e+00> : vector<256x1024xf32>
    %dot_general3A_161 = tpu.matmul %get3A_156, %get3A_159, %dot_general3A_160 {dimension_numbers = #tpu.dot_dimension_numbers<[1], [1], [0], [0], [0, 0, 1, 0], [], []>, transpose_lhs_hint = false} : vector<256x64xbf16>, vector<1024x64xbf16>, vector<256x1024xf32> -> vector<256x1024xf32>
    %add3A_162 = arith.addf %add3A_151, %dot_general3A_161 : vector<256x1024xf32>
    %get3A_163 = arith.constant 15 : index
    %get3A_164 = arith.constant 0 : index
    %get3A_165 = arith.constant 0 : index
    %get3A_166 = vector.load %arg2[%get3A_163, %get3A_164, %get3A_165] : memref<16x256x64xbf16, #tpu.memory_space<vmem>>, vector<1x256x64xbf16>
    %get3A_167 = vector.shape_cast %get3A_166 : vector<1x256x64xbf16> to vector<256x64xbf16>
    %get3A_168 = arith.constant 0 : index
    %get3A_169 = arith.constant 960 : index
    %get3A_170 = vector.load %arg10[%get3A_168, %get3A_169] : memref<1024x1024xbf16, #tpu.memory_space<vmem>>, vector<1024x64xbf16>
    %dot_general3A_171 = arith.constant dense<0.000000e+00> : vector<256x1024xf32>
    %dot_general3A_172 = tpu.matmul %get3A_167, %get3A_170, %dot_general3A_171 {dimension_numbers = #tpu.dot_dimension_numbers<[1], [1], [0], [0], [0, 0, 1, 0], [], []>, transpose_lhs_hint = false} : vector<256x64xbf16>, vector<1024x64xbf16>, vector<256x1024xf32> -> vector<256x1024xf32>
    %add3A_173 = arith.addf %add3A_162, %dot_general3A_172 : vector<256x1024xf32>
    %get3A_174 = arith.constant 0 : index
    %get3A_175 = arith.constant 0 : index
    %get3A_176 = vector.load %arg1[%get3A_174, %get3A_175] : memref<256x1024xf32, #tpu.memory_space<vmem>>, vector<256x1024xf32>
    %add3A_177 = arith.addf %get3A_176, %add3A_173 : vector<256x1024xf32>
    %swap3A = arith.constant 0 : index
    %swap3A_178 = arith.constant 0 : index
    %swap3A_179 = vector.load %arg6[%swap3A, %swap3A_178] : memref<256x1024xf32, #tpu.memory_space<vmem>>, vector<256x1024xf32>
    tpu.vector_store %arg6[%swap3A, %swap3A_178], %add3A_177 {strides = array<i32>} : memref<256x1024xf32, #tpu.memory_space<vmem>>, vector<256x1024xf32>,
    %mul3A = arith.mulf %add3A_177, %add3A_177 : vector<256x1024xf32>
    %reduce_sum3A = arith.constant dense<0.000000e+00> : vector<256xf32>
    %reduce_sum3A_180 = vector.multi_reduction <add>, %mul3A, %reduce_sum3A [1] : vector<256x1024xf32> to vector<256xf32>
    %broadcast_in_dim3A = vector.shape_cast %reduce_sum3A_180 : vector<256xf32> to vector<256x1xf32>
    %div3A = arith.constant 1.024000e+03 : f32
    %div3A_181 = vector.broadcast %div3A : f32 to vector<256x1xf32>
    %div3A_182 = arith.divf %broadcast_in_dim3A, %div3A_181 : vector<256x1xf32>
    %add3A_183 = arith.constant 9.99999997E-7 : f32
    %add3A_184 = vector.broadcast %add3A_183 : f32 to vector<256x1xf32>
    %add3A_185 = arith.addf %div3A_182, %add3A_184 : vector<256x1xf32>
    %rsqrt3A = math.rsqrt %add3A_185 : vector<256x1xf32>
    %mul3A_186 = vector.broadcast %rsqrt3A : vector<256x1xf32> to vector<256x1024xf32>
    %mul3A_187 = arith.mulf %add3A_177, %mul3A_186 : vector<256x1024xf32>
    %get3A_188 = arith.constant 0 : index
    %get3A_189 = arith.constant 0 : index
    %get3A_190 = vector.load %arg4[%get3A_188, %get3A_189] : memref<1x1024xf32, #tpu.memory_space<vmem>>, vector<1x1024xf32>
    %mul3A_191 = vector.broadcast %get3A_190 : vector<1x1024xf32> to vector<256x1024xf32>
    %mul3A_192 = arith.mulf %mul3A_187, %mul3A_191 : vector<256x1024xf32>
    %bitcast_convert_type3A = tpu.bitcast %mul3A_192 : vector<256x1024xf32> -> vector<256x1024xi32>
    %add3A_193 = arith.constant 32768 : i32
    %add3A_194 = vector.broadcast %add3A_193 : i32 to vector<256x1024xi32>
    %add3A_195 = arith.addi %bitcast_convert_type3A, %add3A_194 : vector<256x1024xi32>
    %slice3A = vector.extract_strided_slice %add3A_195 {offsets = [0, 0], sizes = [256, 512], strides = [1, 1]} : vector<256x1024xi32> to vector<256x512xi32>
    %shift_right_logical3A = arith.constant 16 : i32
    %shift_right_logical3A_196 = vector.broadcast %shift_right_logical3A : i32 to vector<256x512xi32>
    %shift_right_logical3A_197 = arith.shrui %slice3A, %shift_right_logical3A_196 : vector<256x512xi32>
    %slice3A_198 = vector.extract_strided_slice %add3A_195 {offsets = [0, 512], sizes = [256, 512], strides = [1, 1]} : vector<256x1024xi32> to vector<256x512xi32>
    %and3A = arith.constant -65536 : i32
    %and3A_199 = vector.broadcast %and3A : i32 to vector<256x512xi32>
    %and3A_200 = arith.andi %slice3A_198, %and3A_199 : vector<256x512xi32>
    %or3A = arith.ori %shift_right_logical3A_197, %and3A_200 : vector<256x512xi32>
    %swap3A_201 = arith.constant 0 : index
    %swap3A_202 = arith.constant 0 : index
    %swap3A_203 = vector.load %arg7[%swap3A_201, %swap3A_202] : memref<256x512xi32, #tpu.memory_space<vmem>>, vector<256x512xi32>
    tpu.vector_store %arg7[%swap3A_201, %swap3A_202], %or3A {strides = array<i32>} : memref<256x512xi32, #tpu.memory_space<vmem>>, vector<256x512xi32>,
    %get3A_204 = arith.constant 0 : index
    %get3A_205 = arith.constant 0 : index
    %get3A_206 = vector.load %arg5[%get3A_204, %get3A_205] : memref<64x1024xf32, #tpu.memory_space<vmem>>, vector<64x1024xf32>
    %dot_general3A_207 = arith.constant dense<0.000000e+00> : vector<256x64xf32>
    %dot_general3A_208 = tpu.matmul %mul3A_192, %get3A_206, %dot_general3A_207 {dimension_numbers = #tpu.dot_dimension_numbers<[1], [1], [0], [0], [0, 0, 1, 0], [], []>, transpose_lhs_hint = false} : vector<256x1024xf32>, vector<64x1024xf32>, vector<256x64xf32> -> vector<256x64xf32>
    %iota3A = tpu.iota {dimensions = array<i32: 1>} : vector<256x64xi32>
    %convert_element_type3A_209 = arith.sitofp %iota3A : vector<256x64xi32> to vector<256x64xf32>
    %reduce_max3A = arith.constant dense<0xFF800000> : vector<256xf32>
    %reduce_max3A_210 = vector.multi_reduction <maximumf>, %dot_general3A_208, %reduce_max3A [1] : vector<256x64xf32> to vector<256xf32>
    %broadcast_in_dim3A_211 = vector.shape_cast %reduce_max3A_210 : vector<256xf32> to vector<256x1xf32>
    %ge3A = vector.broadcast %broadcast_in_dim3A_211 : vector<256x1xf32> to vector<256x64xf32>
    %ge3A_212 = arith.cmpf oge, %dot_general3A_208, %ge3A : vector<256x64xf32>
    %jit3A = arith.constant 6.400000e+01 : f32
    %broadcast_in_dim3A_213 = vector.broadcast %jit3A : f32 to vector<256x64xf32>
    %select_n3A = arith.select %ge3A_212, %convert_element_type3A_209, %broadcast_in_dim3A_213 : vector<256x64xi1>, vector<256x64xf32>
    %reduce_min3A = arith.constant dense<0x7F800000> : vector<256xf32>
    %reduce_min3A_214 = vector.multi_reduction <minimumf>, %select_n3A, %reduce_min3A [1] : vector<256x64xf32> to vector<256xf32>
    %broadcast_in_dim3A_215 = vector.shape_cast %reduce_min3A_214 : vector<256xf32> to vector<256x1xf32>
    %eq3A_216 = vector.broadcast %broadcast_in_dim3A_215 : vector<256x1xf32> to vector<256x64xf32>
    %eq3A_217 = arith.cmpf oeq, %convert_element_type3A_209, %eq3A_216 : vector<256x64xf32>
    %convert_element_type3A_218 = arith.extui %eq3A_217 : vector<256x64xi1> to vector<256x64xi32>
    %convert_element_type3A_219 = arith.sitofp %convert_element_type3A_218 : vector<256x64xi32> to vector<256x64xf32>
    %gt3A = arith.constant 0.000000e+00 : f32
    %gt3A_220 = vector.broadcast %gt3A : f32 to vector<256x64xf32>
    %gt3A_221 = arith.cmpf ogt, %convert_element_type3A_219, %gt3A_220 : vector<256x64xf32>
    %jit3A_222 = arith.constant 0xFF800000 : f32
    %broadcast_in_dim3A_223 = vector.broadcast %jit3A_222 : f32 to vector<256x64xf32>
    %select_n3A_224 = arith.select %gt3A_221, %broadcast_in_dim3A_223, %dot_general3A_208 : vector<256x64xi1>, vector<256x64xf32>
    %reduce_max3A_225 = arith.constant dense<0xFF800000> : vector<256xf32>
    %reduce_max3A_226 = vector.multi_reduction <maximumf>, %select_n3A_224, %reduce_max3A_225 [1] : vector<256x64xf32> to vector<256xf32>
    %broadcast_in_dim3A_227 = vector.shape_cast %reduce_max3A_226 : vector<256xf32> to vector<256x1xf32>
    %ge3A_228 = vector.broadcast %broadcast_in_dim3A_227 : vector<256x1xf32> to vector<256x64xf32>
    %ge3A_229 = arith.cmpf oge, %select_n3A_224, %ge3A_228 : vector<256x64xf32>
    %jit3A_230 = arith.constant 6.400000e+01 : f32
    %broadcast_in_dim3A_231 = vector.broadcast %jit3A_230 : f32 to vector<256x64xf32>
    %select_n3A_232 = arith.select %ge3A_229, %convert_element_type3A_209, %broadcast_in_dim3A_231 : vector<256x64xi1>, vector<256x64xf32>
    %reduce_min3A_233 = arith.constant dense<0x7F800000> : vector<256xf32>
    %reduce_min3A_234 = vector.multi_reduction <minimumf>, %select_n3A_232, %reduce_min3A_233 [1] : vector<256x64xf32> to vector<256xf32>
    %broadcast_in_dim3A_235 = vector.shape_cast %reduce_min3A_234 : vector<256xf32> to vector<256x1xf32>
    %eq3A_236 = vector.broadcast %broadcast_in_dim3A_235 : vector<256x1xf32> to vector<256x64xf32>
    %eq3A_237 = arith.cmpf oeq, %convert_element_type3A_209, %eq3A_236 : vector<256x64xf32>
    %convert_element_type3A_238 = arith.extui %eq3A_237 : vector<256x64xi1> to vector<256x64xi32>
    %convert_element_type3A_239 = arith.sitofp %convert_element_type3A_238 : vector<256x64xi32> to vector<256x64xf32>
    %sub3A = arith.subf %broadcast_in_dim3A_227, %broadcast_in_dim3A_211 : vector<256x1xf32>
    %exp3A = math.exp %sub3A : vector<256x1xf32>
    %add3A_240 = arith.constant 1.000000e+00 : f32
    %add3A_241 = vector.broadcast %add3A_240 : f32 to vector<256x1xf32>
    %add3A_242 = arith.addf %add3A_241, %exp3A : vector<256x1xf32>
    %div3A_243 = arith.constant 1.000000e+00 : f32
    %div3A_244 = vector.broadcast %div3A_243 : f32 to vector<256x1xf32>
    %div3A_245 = arith.divf %div3A_244, %add3A_242 : vector<256x1xf32>
    %sub3A_246 = arith.constant 1.000000e+00 : f32
    %sub3A_247 = vector.broadcast %sub3A_246 : f32 to vector<256x1xf32>
    %sub3A_248 = arith.subf %sub3A_247, %div3A_245 : vector<256x1xf32>
    %add3A_249 = arith.addf %convert_element_type3A_219, %convert_element_type3A_239 : vector<256x64xf32>
    %iota3A_250 = tpu.iota {dimensions = array<i32: 0>} : vector<256x256xi32>
    %iota3A_251 = tpu.iota {dimensions = array<i32: 1>} : vector<256x256xi32>
    %lt3A = arith.cmpi slt, %iota3A_251, %iota3A_250 : vector<256x256xi32>
    %convert_element_type3A_252 = arith.extui %lt3A : vector<256x256xi1> to vector<256x256xi32>
    %convert_element_type3A_253 = arith.sitofp %convert_element_type3A_252 : vector<256x256xi32> to vector<256x256xf32>
    %get3A_254 = arith.constant 0 : index
    %get3A_255 = arith.constant 0 : index
    %get3A_256 = vector.load %arg9[%get3A_254, %get3A_255] : memref<8x64xf32, #tpu.memory_space<vmem>>, vector<1x64xf32>
    %dot_general3A_257 = arith.constant dense<0.000000e+00> : vector<256x64xf32>
    %dot_general3A_258 = tpu.matmul %convert_element_type3A_253, %add3A_249, %dot_general3A_257 {dimension_numbers = #tpu.dot_dimension_numbers<[1], [0], [0], [1], [0, 0, 1, 1], [], []>, transpose_lhs_hint = false} : vector<256x256xf32>, vector<256x64xf32>, vector<256x64xf32> -> vector<256x64xf32>
    %add3A_259 = vector.broadcast %get3A_256 : vector<1x64xf32> to vector<256x64xf32>
    %add3A_260 = arith.addf %add3A_259, %dot_general3A_258 : vector<256x64xf32>
    %get3A_261 = arith.constant 0 : index
    %get3A_262 = arith.constant 0 : index
    %get3A_263 = vector.load %arg9[%get3A_261, %get3A_262] : memref<8x64xf32, #tpu.memory_space<vmem>>, vector<1x64xf32>
    %reduce_sum3A_264 = arith.constant dense<0.000000e+00> : vector<64xf32>
    %reduce_sum3A_265 = vector.multi_reduction <add>, %add3A_249, %reduce_sum3A_264 [0] : vector<256x64xf32> to vector<64xf32>
    %broadcast_in_dim3A_266 = vector.shape_cast %reduce_sum3A_265 : vector<64xf32> to vector<1x64xf32>
    %add3A_267 = arith.addf %get3A_263, %broadcast_in_dim3A_266 : vector<1x64xf32>
    %swap3A_268 = arith.constant 0 : index
    %swap3A_269 = arith.constant 0 : index
    %swap3A_270 = vector.load %arg9[%swap3A_268, %swap3A_269] : memref<8x64xf32, #tpu.memory_space<vmem>>, vector<1x64xf32>
    tpu.vector_store %arg9[%swap3A_268, %swap3A_269], %add3A_267 {strides = array<i32>} : memref<8x64xf32, #tpu.memory_space<vmem>>, vector<1x64xf32>,
    %mul3A_271 = arith.mulf %add3A_260, %convert_element_type3A_219 : vector<256x64xf32>
    %reduce_sum3A_272 = arith.constant dense<0.000000e+00> : vector<256xf32>
    %reduce_sum3A_273 = vector.multi_reduction <add>, %mul3A_271, %reduce_sum3A_272 [1] : vector<256x64xf32> to vector<256xf32>
    %broadcast_in_dim3A_274 = vector.shape_cast %reduce_sum3A_273 : vector<256xf32> to vector<256x1xf32>
    %mul3A_275 = arith.mulf %add3A_260, %convert_element_type3A_239 : vector<256x64xf32>
    %reduce_sum3A_276 = arith.constant dense<0.000000e+00> : vector<256xf32>
    %reduce_sum3A_277 = vector.multi_reduction <add>, %mul3A_275, %reduce_sum3A_276 [1] : vector<256x64xf32> to vector<256xf32>
    %broadcast_in_dim3A_278 = vector.shape_cast %reduce_sum3A_277 : vector<256xf32> to vector<256x1xf32>
    %convert_element_type3A_279 = arith.sitofp %arg0 : i32 to f32
    %mul3A_280 = arith.constant 2.560000e+02 : f32
    %mul3A_281 = arith.mulf %mul3A_280, %convert_element_type3A_279 : f32
    %iota3A_282 = tpu.iota {dimensions = array<i32: 0>} : vector<256x1xi32>
    %convert_element_type3A_283 = arith.sitofp %iota3A_282 : vector<256x1xi32> to vector<256x1xf32>
    %add3A_284 = vector.broadcast %mul3A_281 : f32 to vector<256x1xf32>
    %add3A_285 = arith.addf %add3A_284, %convert_element_type3A_283 : vector<256x1xf32>
    %lt3A_286 = arith.constant 2.560000e+02 : f32
    %lt3A_287 = vector.broadcast %lt3A_286 : f32 to vector<256x1xf32>
    %lt3A_288 = arith.cmpf olt, %broadcast_in_dim3A_274, %lt3A_287 : vector<256x1xf32>
    %lt3A_289 = arith.constant 2.560000e+02 : f32
    %lt3A_290 = vector.broadcast %lt3A_289 : f32 to vector<256x1xf32>
    %lt3A_291 = arith.cmpf olt, %broadcast_in_dim3A_278, %lt3A_290 : vector<256x1xf32>
    %mul3A_292 = arith.constant 2.560000e+02 : f32
    %mul3A_293 = vector.broadcast %mul3A_292 : f32 to vector<256x1xf32>
    %mul3A_294 = arith.mulf %broadcast_in_dim3A_215, %mul3A_293 : vector<256x1xf32>
    %add3A_295 = arith.addf %mul3A_294, %broadcast_in_dim3A_274 : vector<256x1xf32>
    %mul3A_296 = arith.constant 2.560000e+02 : f32
    %mul3A_297 = vector.broadcast %mul3A_296 : f32 to vector<256x1xf32>
    %mul3A_298 = arith.mulf %broadcast_in_dim3A_235, %mul3A_297 : vector<256x1xf32>
    %add3A_299 = arith.addf %mul3A_298, %broadcast_in_dim3A_278 : vector<256x1xf32>
    %add3A_300 = arith.constant 1.638400e+04 : f32
    %add3A_301 = vector.broadcast %add3A_300 : f32 to vector<256x1xf32>
    %add3A_302 = arith.addf %add3A_301, %add3A_285 : vector<256x1xf32>
    %select_n3A_303 = arith.select %lt3A_288, %add3A_295, %add3A_302 : vector<256x1xi1>, vector<256x1xf32>
    %add3A_304 = arith.constant 1.638400e+04 : f32
    %add3A_305 = vector.broadcast %add3A_304 : f32 to vector<256x1xf32>
    %add3A_306 = arith.addf %add3A_305, %add3A_285 : vector<256x1xf32>
    %select_n3A_307 = arith.select %lt3A_291, %add3A_299, %add3A_306 : vector<256x1xi1>, vector<256x1xf32>
    %jit3A_308 = arith.constant 0.000000e+00 : f32
    %broadcast_in_dim3A_309 = vector.broadcast %jit3A_308 : f32 to vector<256x1xf32>
    %select_n3A_310 = arith.select %lt3A_288, %add3A_295, %broadcast_in_dim3A_309 : vector<256x1xi1>, vector<256x1xf32>
    %jit3A_311 = arith.constant 0.000000e+00 : f32
    %broadcast_in_dim3A_312 = vector.broadcast %jit3A_311 : f32 to vector<256x1xf32>
    %select_n3A_313 = arith.select %lt3A_291, %add3A_299, %broadcast_in_dim3A_312 : vector<256x1xi1>, vector<256x1xf32>
    %jit3A_314 = arith.constant 0.000000e+00 : f32
    %broadcast_in_dim3A_315 = vector.broadcast %jit3A_314 : f32 to vector<256x1xf32>
    %select_n3A_316 = arith.select %lt3A_288, %div3A_245, %broadcast_in_dim3A_315 : vector<256x1xi1>, vector<256x1xf32>
    %jit3A_317 = arith.constant 0.000000e+00 : f32
    %broadcast_in_dim3A_318 = vector.broadcast %jit3A_317 : f32 to vector<256x1xf32>
    %select_n3A_319 = arith.select %lt3A_291, %sub3A_248, %broadcast_in_dim3A_318 : vector<256x1xi1>, vector<256x1xf32>
    %broadcast_in_dim3A_320 = arith.constant 0.000000e+00 : f32
    %broadcast_in_dim3A_321 = vector.broadcast %broadcast_in_dim3A_320 : f32 to vector<256x1xf32>
    %concatenate3A = tpu.concatenate %select_n3A_303, %select_n3A_307, %select_n3A_310, %select_n3A_313, %select_n3A_316, %select_n3A_319, %broadcast_in_dim3A_321, %broadcast_in_dim3A_321 in 1 : vector<256x1xf32>, vector<256x1xf32>, vector<256x1xf32>, vector<256x1xf32>, vector<256x1xf32>, vector<256x1xf32>, vector<256x1xf32>, vector<256x1xf32> -> vector<256x8xf32>
    %swap3A_322 = arith.constant 0 : index
    %swap3A_323 = arith.constant 0 : index
    %swap3A_324 = vector.load %arg8[%swap3A_322, %swap3A_323] : memref<256x8xf32, #tpu.memory_space<vmem>>, vector<256x8xf32>
    tpu.vector_store %arg8[%swap3A_322, %swap3A_323], %concatenate3A {strides = array<i32>} : memref<256x8xf32, #tpu.memory_space<vmem>>, vector<256x8xf32>,
    return
  }
  func.func @transform_0(%arg0: i32) -> (i32, i32) {
    %c0_i32 = arith.constant 0 : i32
    %c0_i32_0 = arith.constant 0 : i32
    return %arg0, %c0_i32 : i32, i32
  }
  func.func @transform_1(%arg0: i32) -> (i32, i32, i32) {
    %c0_i32 = arith.constant 0 : i32
    %c0_i32_0 = arith.constant 0 : i32
    %c0_i32_1 = arith.constant 0 : i32
    return %c0_i32, %arg0, %c0_i32_0 : i32, i32, i32
  }
  func.func @transform_2(%arg0: i32) -> (i32, i32) {
    %c0_i32 = arith.constant 0 : i32
    %c0_i32_0 = arith.constant 0 : i32
    %c0_i32_1 = arith.constant 0 : i32
    return %c0_i32, %c0_i32_0 : i32, i32
  }
  func.func @transform_3(%arg0: i32) -> (i32, i32) {
    %c0_i32 = arith.constant 0 : i32
    %c0_i32_0 = arith.constant 0 : i32
    %c0_i32_1 = arith.constant 0 : i32
    return %c0_i32, %c0_i32_0 : i32, i32
  }
  func.func @transform_4(%arg0: i32) -> (i32, i32) {
    %c0_i32 = arith.constant 0 : i32
    %c0_i32_0 = arith.constant 0 : i32
    %c0_i32_1 = arith.constant 0 : i32
    return %c0_i32, %c0_i32_0 : i32, i32
  }
  func.func @transform_5(%arg0: i32) -> (i32, i32) {
    %c0_i32 = arith.constant 0 : i32
    %c0_i32_0 = arith.constant 0 : i32
    return %arg0, %c0_i32 : i32, i32
  }
  func.func @transform_6(%arg0: i32) -> (i32, i32) {
    %c0_i32 = arith.constant 0 : i32
    %c0_i32_0 = arith.constant 0 : i32
    return %arg0, %c0_i32 : i32, i32
  }
  func.func @transform_7(%arg0: i32) -> (i32, i32) {
    %c0_i32 = arith.constant 0 : i32
    %c0_i32_0 = arith.constant 0 : i32
    return %arg0, %c0_i32 : i32, i32
  }
}

module attributes {stable_mosaic.version = 14 : i64} {
  func.func @_attn_body(%arg0: i32, %arg1: i32, %arg2: memref<1x2048x64xbf16, #tpu.memory_space<vmem>>, %arg3: memref<1x2048x64xbf16, #tpu.memory_space<vmem>>, %arg4: memref<1x2048x64xbf16, #tpu.memory_space<vmem>>, %arg5: memref<1x2048x64xbf16, #tpu.memory_space<vmem>>) attributes {dimension_semantics = [#tpu.dimension_semantics<arbitrary>, #tpu.dimension_semantics<arbitrary>], iteration_bounds = array<i64: 16, 1>, scalar_prefetch = 0 : i64, scratch_operands = 0 : i64, tpu.core_type = #tpu.core_type<tc>, window_params = [{transform_indices = @transform_0, window_bounds = array<i64: 1, 2048, 64>}, {transform_indices = @transform_1, window_bounds = array<i64: 1, 2048, 64>}, {transform_indices = @transform_2, window_bounds = array<i64: 1, 2048, 64>}, {transform_indices = @transform_3, window_bounds = array<i64: 1, 2048, 64>}]} {
    %get3A = arith.constant 0 : index
    %get3A_0 = arith.constant 0 : index
    %get3A_1 = arith.constant 0 : index
    %get3A_2 = vector.load %arg2[%get3A, %get3A_0, %get3A_1] : memref<1x2048x64xbf16, #tpu.memory_space<vmem>>, vector<1x2048x64xbf16>
    %get3A_3 = vector.shape_cast %get3A_2 : vector<1x2048x64xbf16> to vector<2048x64xbf16>
    %get3A_4 = arith.constant 0 : index
    %get3A_5 = arith.constant 0 : index
    %get3A_6 = arith.constant 0 : index
    %get3A_7 = vector.load %arg3[%get3A_4, %get3A_5, %get3A_6] : memref<1x2048x64xbf16, #tpu.memory_space<vmem>>, vector<1x2048x64xbf16>
    %get3A_8 = vector.shape_cast %get3A_7 : vector<1x2048x64xbf16> to vector<2048x64xbf16>
    %dot_general3A = arith.constant dense<0.000000e+00> : vector<2048x2048xf32>
    %dot_general3A_9 = tpu.matmul %get3A_3, %get3A_8, %dot_general3A {dimension_numbers = #tpu.dot_dimension_numbers<[1], [1], [0], [0], [0, 0, 1, 0], [], []>, transpose_lhs_hint = false} : vector<2048x64xbf16>, vector<2048x64xbf16>, vector<2048x2048xf32> -> vector<2048x2048xf32>
    %exp3A = math.exp %dot_general3A_9 : vector<2048x2048xf32>
    %reduce_sum3A = arith.constant dense<0.000000e+00> : vector<2048xf32>
    %reduce_sum3A_10 = vector.multi_reduction <add>, %exp3A, %reduce_sum3A [1] : vector<2048x2048xf32> to vector<2048xf32>
    %broadcast_in_dim3A = vector.shape_cast %reduce_sum3A_10 : vector<2048xf32> to vector<2048x1xf32>
    %convert_element_type3A = arith.truncf %exp3A : vector<2048x2048xf32> to vector<2048x2048xbf16>
    %get3A_11 = arith.constant 0 : index
    %get3A_12 = arith.constant 0 : index
    %get3A_13 = arith.constant 0 : index
    %get3A_14 = vector.load %arg4[%get3A_11, %get3A_12, %get3A_13] : memref<1x2048x64xbf16, #tpu.memory_space<vmem>>, vector<1x2048x64xbf16>
    %get3A_15 = vector.shape_cast %get3A_14 : vector<1x2048x64xbf16> to vector<2048x64xbf16>
    %dot_general3A_16 = arith.constant dense<0.000000e+00> : vector<2048x64xf32>
    %dot_general3A_17 = tpu.matmul %convert_element_type3A, %get3A_15, %dot_general3A_16 {dimension_numbers = #tpu.dot_dimension_numbers<[1], [0], [0], [1], [0, 0, 1, 1], [], []>, transpose_lhs_hint = false} : vector<2048x2048xbf16>, vector<2048x64xbf16>, vector<2048x64xf32> -> vector<2048x64xf32>
    %div3A = vector.broadcast %broadcast_in_dim3A : vector<2048x1xf32> to vector<2048x64xf32>
    %div3A_18 = arith.divf %dot_general3A_17, %div3A : vector<2048x64xf32>
    %convert_element_type3A_19 = arith.truncf %div3A_18 : vector<2048x64xf32> to vector<2048x64xbf16>
    %swap3A = arith.constant 0 : index
    %swap3A_20 = arith.constant 0 : index
    %swap3A_21 = arith.constant 0 : index
    %swap3A_22 = vector.load %arg5[%swap3A, %swap3A_20, %swap3A_21] : memref<1x2048x64xbf16, #tpu.memory_space<vmem>>, vector<1x2048x64xbf16>
    %swap3A_23 = vector.shape_cast %swap3A_22 : vector<1x2048x64xbf16> to vector<2048x64xbf16>
    %swap3A_24 = vector.shape_cast %convert_element_type3A_19 : vector<2048x64xbf16> to vector<1x2048x64xbf16>
    tpu.vector_store %arg5[%swap3A, %swap3A_20, %swap3A_21], %swap3A_24 {strides = array<i32>} : memref<1x2048x64xbf16, #tpu.memory_space<vmem>>, vector<1x2048x64xbf16>,
    return
  }
  func.func @transform_0(%arg0: i32, %arg1: i32) -> (i32, i32, i32) {
    %c0_i32 = arith.constant 0 : i32
    %c0_i32_0 = arith.constant 0 : i32
    return %arg0, %arg1, %c0_i32 : i32, i32, i32
  }
  func.func @transform_1(%arg0: i32, %arg1: i32) -> (i32, i32, i32) {
    %jit3A = arith.constant 4 : i32
    %div3A = arith.divsi %arg0, %jit3A : i32
    %sign3A = arith.constant 0 : i32
    %sign3A_0 = arith.cmpi sgt, %arg0, %sign3A : i32
    %sign3A_1 = arith.extui %sign3A_0 : i1 to i32
    %sign3A_2 = arith.constant 0 : i32
    %sign3A_3 = arith.cmpi slt, %arg0, %sign3A_2 : i32
    %sign3A_4 = arith.extui %sign3A_3 : i1 to i32
    %sign3A_5 = arith.subi %sign3A_1, %sign3A_4 : i32
    %sign3A_6 = arith.constant 0 : i32
    %sign3A_7 = arith.cmpi sgt, %jit3A, %sign3A_6 : i32
    %sign3A_8 = arith.extui %sign3A_7 : i1 to i32
    %sign3A_9 = arith.constant 0 : i32
    %sign3A_10 = arith.cmpi slt, %jit3A, %sign3A_9 : i32
    %sign3A_11 = arith.extui %sign3A_10 : i1 to i32
    %sign3A_12 = arith.subi %sign3A_8, %sign3A_11 : i32
    %ne3A = arith.cmpi ne, %sign3A_5, %sign3A_12 : i32
    %rem3A = arith.remsi %arg0, %jit3A : i32
    %ne3A_13 = arith.constant 0 : i32
    %ne3A_14 = arith.cmpi ne, %rem3A, %ne3A_13 : i32
    %and3A = arith.andi %ne3A, %ne3A_14 : i1
    %sub3A = arith.constant 1 : i32
    %sub3A_15 = arith.subi %div3A, %sub3A : i32
    %select_n3A = arith.select %and3A, %sub3A_15, %div3A : i32
    %c0_i32 = arith.constant 0 : i32
    %c0_i32_16 = arith.constant 0 : i32
    %c0_i32_17 = arith.constant 0 : i32
    return %select_n3A, %c0_i32, %c0_i32_16 : i32, i32, i32
  }
  func.func @transform_2(%arg0: i32, %arg1: i32) -> (i32, i32, i32) {
    %jit3A = arith.constant 4 : i32
    %div3A = arith.divsi %arg0, %jit3A : i32
    %sign3A = arith.constant 0 : i32
    %sign3A_0 = arith.cmpi sgt, %arg0, %sign3A : i32
    %sign3A_1 = arith.extui %sign3A_0 : i1 to i32
    %sign3A_2 = arith.constant 0 : i32
    %sign3A_3 = arith.cmpi slt, %arg0, %sign3A_2 : i32
    %sign3A_4 = arith.extui %sign3A_3 : i1 to i32
    %sign3A_5 = arith.subi %sign3A_1, %sign3A_4 : i32
    %sign3A_6 = arith.constant 0 : i32
    %sign3A_7 = arith.cmpi sgt, %jit3A, %sign3A_6 : i32
    %sign3A_8 = arith.extui %sign3A_7 : i1 to i32
    %sign3A_9 = arith.constant 0 : i32
    %sign3A_10 = arith.cmpi slt, %jit3A, %sign3A_9 : i32
    %sign3A_11 = arith.extui %sign3A_10 : i1 to i32
    %sign3A_12 = arith.subi %sign3A_8, %sign3A_11 : i32
    %ne3A = arith.cmpi ne, %sign3A_5, %sign3A_12 : i32
    %rem3A = arith.remsi %arg0, %jit3A : i32
    %ne3A_13 = arith.constant 0 : i32
    %ne3A_14 = arith.cmpi ne, %rem3A, %ne3A_13 : i32
    %and3A = arith.andi %ne3A, %ne3A_14 : i1
    %sub3A = arith.constant 1 : i32
    %sub3A_15 = arith.subi %div3A, %sub3A : i32
    %select_n3A = arith.select %and3A, %sub3A_15, %div3A : i32
    %c0_i32 = arith.constant 0 : i32
    %c0_i32_16 = arith.constant 0 : i32
    %c0_i32_17 = arith.constant 0 : i32
    return %select_n3A, %c0_i32, %c0_i32_16 : i32, i32, i32
  }
  func.func @transform_3(%arg0: i32, %arg1: i32) -> (i32, i32, i32) {
    %c0_i32 = arith.constant 0 : i32
    %c0_i32_0 = arith.constant 0 : i32
    return %arg0, %arg1, %c0_i32 : i32, i32, i32
  }
}

module attributes {stable_mosaic.version = 14 : i64} {
  func.func @_proj_body(%arg0: i32, %arg1: memref<256x1024xf32, #tpu.memory_space<vmem>>, %arg2: memref<1x1024xf32, #tpu.memory_space<vmem>>, %arg3: memref<1024x1024xf32, #tpu.memory_space<vmem>>, %arg4: memref<256x1024xf32, #tpu.memory_space<vmem>>, %arg5: memref<256x1024xf32, #tpu.memory_space<vmem>>, %arg6: memref<256x32xf32, #tpu.memory_space<vmem>>, %arg7: memref<1024x1024xbf16, #tpu.memory_space<vmem>>, %arg8: memref<1024x16xf32, #tpu.memory_space<vmem>>, %arg9: memref<16x256x64xbf16, #tpu.memory_space<vmem>>, %arg10: memref<4x256x64xbf16, #tpu.memory_space<vmem>>, %arg11: memref<4x256x64xbf16, #tpu.memory_space<vmem>>) attributes {dimension_semantics = [#tpu.dimension_semantics<arbitrary>], iteration_bounds = array<i64: 8>, scalar_prefetch = 0 : i64, scratch_operands = 0 : i64, tpu.core_type = #tpu.core_type<tc>, window_params = [{transform_indices = @transform_0, window_bounds = array<i64: 256, 1024>}, {pipeline_mode = #tpu.pipeline_mode<synchronous>, transform_indices = @transform_1, window_bounds = array<i64: 1, 1024>}, {pipeline_mode = #tpu.pipeline_mode<synchronous>, transform_indices = @transform_2, window_bounds = array<i64: 1024, 1024>}, {pipeline_mode = #tpu.pipeline_mode<synchronous>, transform_indices = @transform_3, window_bounds = array<i64: 256, 1024>}, {pipeline_mode = #tpu.pipeline_mode<synchronous>, transform_indices = @transform_4, window_bounds = array<i64: 256, 1024>}, {transform_indices = @transform_5, window_bounds = array<i64: 256, 32>}, {pipeline_mode = #tpu.pipeline_mode<synchronous>, transform_indices = @transform_6, window_bounds = array<i64: 1024, 1024>}, {pipeline_mode = #tpu.pipeline_mode<synchronous>, transform_indices = @transform_7, window_bounds = array<i64: 1024, 16>}, {transform_indices = @transform_8, window_bounds = array<i64: 16, 256, 64>}, {transform_indices = @transform_9, window_bounds = array<i64: 4, 256, 64>}, {transform_indices = @transform_10, window_bounds = array<i64: 4, 256, 64>}]} {
    %get3A = arith.constant 0 : index
    %get3A_0 = arith.constant 0 : index
    %get3A_1 = vector.load %arg1[%get3A, %get3A_0] : memref<256x1024xf32, #tpu.memory_space<vmem>>, vector<256x1024xf32>
    %mul3A = arith.mulf %get3A_1, %get3A_1 : vector<256x1024xf32>
    %reduce_sum3A = arith.constant dense<0.000000e+00> : vector<256xf32>
    %reduce_sum3A_2 = vector.multi_reduction <add>, %mul3A, %reduce_sum3A [1] : vector<256x1024xf32> to vector<256xf32>
    %broadcast_in_dim3A = vector.shape_cast %reduce_sum3A_2 : vector<256xf32> to vector<256x1xf32>
    %div3A = arith.constant 1.024000e+03 : f32
    %div3A_3 = vector.broadcast %div3A : f32 to vector<256x1xf32>
    %div3A_4 = arith.divf %broadcast_in_dim3A, %div3A_3 : vector<256x1xf32>
    %add3A = arith.constant 9.99999997E-7 : f32
    %add3A_5 = vector.broadcast %add3A : f32 to vector<256x1xf32>
    %add3A_6 = arith.addf %div3A_4, %add3A_5 : vector<256x1xf32>
    %rsqrt3A = math.rsqrt %add3A_6 : vector<256x1xf32>
    %mul3A_7 = vector.broadcast %rsqrt3A : vector<256x1xf32> to vector<256x1024xf32>
    %mul3A_8 = arith.mulf %get3A_1, %mul3A_7 : vector<256x1024xf32>
    %get3A_9 = arith.constant 0 : index
    %get3A_10 = arith.constant 0 : index
    %get3A_11 = vector.load %arg2[%get3A_9, %get3A_10] : memref<1x1024xf32, #tpu.memory_space<vmem>>, vector<1x1024xf32>
    %mul3A_12 = vector.broadcast %get3A_11 : vector<1x1024xf32> to vector<256x1024xf32>
    %mul3A_13 = arith.mulf %mul3A_8, %mul3A_12 : vector<256x1024xf32>
    %get3A_14 = arith.constant 0 : index
    %get3A_15 = arith.constant 0 : index
    %get3A_16 = vector.load %arg6[%get3A_14, %get3A_15] : memref<256x32xf32, #tpu.memory_space<vmem>>, vector<256x32xf32>
    %cos3A = math.cos %get3A_16 : vector<256x32xf32>
    %sin3A = math.sin %get3A_16 : vector<256x32xf32>
    %concatenate3A = tpu.concatenate %cos3A, %cos3A, %cos3A, %cos3A, %cos3A, %cos3A, %cos3A, %cos3A, %cos3A, %cos3A, %cos3A, %cos3A, %cos3A, %cos3A, %cos3A, %cos3A, %cos3A, %cos3A, %cos3A, %cos3A, %cos3A, %cos3A, %cos3A, %cos3A, %cos3A, %cos3A, %cos3A, %cos3A, %cos3A, %cos3A, %cos3A, %cos3A in 1 : vector<256x32xf32>, vector<256x32xf32>, vector<256x32xf32>, vector<256x32xf32>, vector<256x32xf32>, vector<256x32xf32>, vector<256x32xf32>, vector<256x32xf32>, vector<256x32xf32>, vector<256x32xf32>, vector<256x32xf32>, vector<256x32xf32>, vector<256x32xf32>, vector<256x32xf32>, vector<256x32xf32>, vector<256x32xf32>, vector<256x32xf32>, vector<256x32xf32>, vector<256x32xf32>, vector<256x32xf32>, vector<256x32xf32>, vector<256x32xf32>, vector<256x32xf32>, vector<256x32xf32>, vector<256x32xf32>, vector<256x32xf32>, vector<256x32xf32>, vector<256x32xf32>, vector<256x32xf32>, vector<256x32xf32>, vector<256x32xf32>, vector<256x32xf32> -> vector<256x1024xf32>
    %concatenate3A_17 = tpu.concatenate %sin3A, %sin3A, %sin3A, %sin3A, %sin3A, %sin3A, %sin3A, %sin3A, %sin3A, %sin3A, %sin3A, %sin3A, %sin3A, %sin3A, %sin3A, %sin3A, %sin3A, %sin3A, %sin3A, %sin3A, %sin3A, %sin3A, %sin3A, %sin3A, %sin3A, %sin3A, %sin3A, %sin3A, %sin3A, %sin3A, %sin3A, %sin3A in 1 : vector<256x32xf32>, vector<256x32xf32>, vector<256x32xf32>, vector<256x32xf32>, vector<256x32xf32>, vector<256x32xf32>, vector<256x32xf32>, vector<256x32xf32>, vector<256x32xf32>, vector<256x32xf32>, vector<256x32xf32>, vector<256x32xf32>, vector<256x32xf32>, vector<256x32xf32>, vector<256x32xf32>, vector<256x32xf32>, vector<256x32xf32>, vector<256x32xf32>, vector<256x32xf32>, vector<256x32xf32>, vector<256x32xf32>, vector<256x32xf32>, vector<256x32xf32>, vector<256x32xf32>, vector<256x32xf32>, vector<256x32xf32>, vector<256x32xf32>, vector<256x32xf32>, vector<256x32xf32>, vector<256x32xf32>, vector<256x32xf32>, vector<256x32xf32> -> vector<256x1024xf32>
    %convert_element_type3A = arith.truncf %mul3A_13 : vector<256x1024xf32> to vector<256x1024xbf16>
    %get3A_18 = arith.constant 0 : index
    %get3A_19 = arith.constant 0 : index
    %get3A_20 = vector.load %arg3[%get3A_18, %get3A_19] : memref<1024x1024xf32, #tpu.memory_space<vmem>>, vector<1024x1024xf32>
    %convert_element_type3A_21 = arith.truncf %get3A_20 : vector<1024x1024xf32> to vector<1024x1024xbf16>
    %dot_general3A = arith.constant dense<0.000000e+00> : vector<256x1024xf32>
    %dot_general3A_22 = tpu.matmul %convert_element_type3A, %convert_element_type3A_21, %dot_general3A {dimension_numbers = #tpu.dot_dimension_numbers<[1], [1], [0], [0], [0, 0, 1, 0], [], []>, transpose_lhs_hint = false} : vector<256x1024xbf16>, vector<1024x1024xbf16>, vector<256x1024xf32> -> vector<256x1024xf32>
    %mul3A_23 = arith.mulf %dot_general3A_22, %dot_general3A_22 : vector<256x1024xf32>
    %get3A_24 = arith.constant 0 : index
    %get3A_25 = arith.constant 0 : index
    %get3A_26 = vector.load %arg8[%get3A_24, %get3A_25] : memref<1024x16xf32, #tpu.memory_space<vmem>>, vector<1024x16xf32>
    %dot_general3A_27 = arith.constant dense<0.000000e+00> : vector<256x16xf32>
    %dot_general3A_28 = tpu.matmul %mul3A_23, %get3A_26, %dot_general3A_27 {dimension_numbers = #tpu.dot_dimension_numbers<[1], [0], [0], [1], [0, 0, 1, 1], [], []>, transpose_lhs_hint = false} : vector<256x1024xf32>, vector<1024x16xf32>, vector<256x16xf32> -> vector<256x16xf32>
    %mul3A_29 = arith.constant 1.562500e-02 : f32
    %mul3A_30 = vector.broadcast %mul3A_29 : f32 to vector<256x16xf32>
    %mul3A_31 = arith.mulf %dot_general3A_28, %mul3A_30 : vector<256x16xf32>
    %add3A_32 = arith.constant 9.99999997E-7 : f32
    %add3A_33 = vector.broadcast %add3A_32 : f32 to vector<256x16xf32>
    %add3A_34 = arith.addf %mul3A_31, %add3A_33 : vector<256x16xf32>
    %rsqrt3A_35 = math.rsqrt %add3A_34 : vector<256x16xf32>
    %mul3A_36 = arith.constant 1.250000e-01 : f32
    %mul3A_37 = vector.broadcast %mul3A_36 : f32 to vector<256x16xf32>
    %mul3A_38 = arith.mulf %rsqrt3A_35, %mul3A_37 : vector<256x16xf32>
    %get3A_39 = arith.constant 0 : index
    %get3A_40 = arith.constant 0 : index
    %get3A_41 = vector.load %arg8[%get3A_39, %get3A_40] : memref<1024x16xf32, #tpu.memory_space<vmem>>, vector<1024x16xf32>
    %dot_general3A_42 = arith.constant dense<0.000000e+00> : vector<256x1024xf32>
    %dot_general3A_43 = tpu.matmul %mul3A_38, %get3A_41, %dot_general3A_42 {dimension_numbers = #tpu.dot_dimension_numbers<[1], [1], [0], [0], [0, 0, 1, 0], [], []>, transpose_lhs_hint = false} : vector<256x16xf32>, vector<1024x16xf32>, vector<256x1024xf32> -> vector<256x1024xf32>
    %convert_element_type3A_44 = arith.truncf %dot_general3A_22 : vector<256x1024xf32> to vector<256x1024xbf16>
    %get3A_45 = arith.constant 0 : index
    %get3A_46 = arith.constant 0 : index
    %get3A_47 = vector.load %arg7[%get3A_45, %get3A_46] : memref<1024x1024xbf16, #tpu.memory_space<vmem>>, vector<1024x1024xbf16>
    %dot_general3A_48 = arith.constant dense<0.000000e+00> : vector<256x1024xf32>
    %dot_general3A_49 = tpu.matmul %convert_element_type3A_44, %get3A_47, %dot_general3A_48 {dimension_numbers = #tpu.dot_dimension_numbers<[1], [0], [0], [1], [0, 0, 1, 1], [], []>, transpose_lhs_hint = false} : vector<256x1024xbf16>, vector<1024x1024xbf16>, vector<256x1024xf32> -> vector<256x1024xf32>
    %mul3A_50 = arith.mulf %dot_general3A_22, %concatenate3A : vector<256x1024xf32>
    %mul3A_51 = arith.mulf %dot_general3A_49, %concatenate3A_17 : vector<256x1024xf32>
    %add3A_52 = arith.addf %mul3A_50, %mul3A_51 : vector<256x1024xf32>
    %mul3A_53 = arith.mulf %add3A_52, %dot_general3A_43 : vector<256x1024xf32>
    %slice3A = vector.extract_strided_slice %mul3A_53 {offsets = [0, 0], sizes = [256, 64], strides = [1, 1]} : vector<256x1024xf32> to vector<256x64xf32>
    %convert_element_type3A_54 = arith.truncf %slice3A : vector<256x64xf32> to vector<256x64xbf16>
    %swap3A = arith.constant 0 : index
    %swap3A_55 = arith.constant 0 : index
    %swap3A_56 = arith.constant 0 : index
    %swap3A_57 = vector.load %arg9[%swap3A, %swap3A_55, %swap3A_56] : memref<16x256x64xbf16, #tpu.memory_space<vmem>>, vector<1x256x64xbf16>
    %swap3A_58 = vector.shape_cast %swap3A_57 : vector<1x256x64xbf16> to vector<256x64xbf16>
    %swap3A_59 = vector.shape_cast %convert_element_type3A_54 : vector<256x64xbf16> to vector<1x256x64xbf16>
    tpu.vector_store %arg9[%swap3A, %swap3A_55, %swap3A_56], %swap3A_59 {strides = array<i32>} : memref<16x256x64xbf16, #tpu.memory_space<vmem>>, vector<1x256x64xbf16>,
    %slice3A_60 = vector.extract_strided_slice %mul3A_53 {offsets = [0, 64], sizes = [256, 64], strides = [1, 1]} : vector<256x1024xf32> to vector<256x64xf32>
    %convert_element_type3A_61 = arith.truncf %slice3A_60 : vector<256x64xf32> to vector<256x64xbf16>
    %swap3A_62 = arith.constant 1 : index
    %swap3A_63 = arith.constant 0 : index
    %swap3A_64 = arith.constant 0 : index
    %swap3A_65 = vector.load %arg9[%swap3A_62, %swap3A_63, %swap3A_64] : memref<16x256x64xbf16, #tpu.memory_space<vmem>>, vector<1x256x64xbf16>
    %swap3A_66 = vector.shape_cast %swap3A_65 : vector<1x256x64xbf16> to vector<256x64xbf16>
    %swap3A_67 = vector.shape_cast %convert_element_type3A_61 : vector<256x64xbf16> to vector<1x256x64xbf16>
    tpu.vector_store %arg9[%swap3A_62, %swap3A_63, %swap3A_64], %swap3A_67 {strides = array<i32>} : memref<16x256x64xbf16, #tpu.memory_space<vmem>>, vector<1x256x64xbf16>,
    %slice3A_68 = vector.extract_strided_slice %mul3A_53 {offsets = [0, 128], sizes = [256, 64], strides = [1, 1]} : vector<256x1024xf32> to vector<256x64xf32>
    %convert_element_type3A_69 = arith.truncf %slice3A_68 : vector<256x64xf32> to vector<256x64xbf16>
    %swap3A_70 = arith.constant 2 : index
    %swap3A_71 = arith.constant 0 : index
    %swap3A_72 = arith.constant 0 : index
    %swap3A_73 = vector.load %arg9[%swap3A_70, %swap3A_71, %swap3A_72] : memref<16x256x64xbf16, #tpu.memory_space<vmem>>, vector<1x256x64xbf16>
    %swap3A_74 = vector.shape_cast %swap3A_73 : vector<1x256x64xbf16> to vector<256x64xbf16>
    %swap3A_75 = vector.shape_cast %convert_element_type3A_69 : vector<256x64xbf16> to vector<1x256x64xbf16>
    tpu.vector_store %arg9[%swap3A_70, %swap3A_71, %swap3A_72], %swap3A_75 {strides = array<i32>} : memref<16x256x64xbf16, #tpu.memory_space<vmem>>, vector<1x256x64xbf16>,
    %slice3A_76 = vector.extract_strided_slice %mul3A_53 {offsets = [0, 192], sizes = [256, 64], strides = [1, 1]} : vector<256x1024xf32> to vector<256x64xf32>
    %convert_element_type3A_77 = arith.truncf %slice3A_76 : vector<256x64xf32> to vector<256x64xbf16>
    %swap3A_78 = arith.constant 3 : index
    %swap3A_79 = arith.constant 0 : index
    %swap3A_80 = arith.constant 0 : index
    %swap3A_81 = vector.load %arg9[%swap3A_78, %swap3A_79, %swap3A_80] : memref<16x256x64xbf16, #tpu.memory_space<vmem>>, vector<1x256x64xbf16>
    %swap3A_82 = vector.shape_cast %swap3A_81 : vector<1x256x64xbf16> to vector<256x64xbf16>
    %swap3A_83 = vector.shape_cast %convert_element_type3A_77 : vector<256x64xbf16> to vector<1x256x64xbf16>
    tpu.vector_store %arg9[%swap3A_78, %swap3A_79, %swap3A_80], %swap3A_83 {strides = array<i32>} : memref<16x256x64xbf16, #tpu.memory_space<vmem>>, vector<1x256x64xbf16>,
    %slice3A_84 = vector.extract_strided_slice %mul3A_53 {offsets = [0, 256], sizes = [256, 64], strides = [1, 1]} : vector<256x1024xf32> to vector<256x64xf32>
    %convert_element_type3A_85 = arith.truncf %slice3A_84 : vector<256x64xf32> to vector<256x64xbf16>
    %swap3A_86 = arith.constant 4 : index
    %swap3A_87 = arith.constant 0 : index
    %swap3A_88 = arith.constant 0 : index
    %swap3A_89 = vector.load %arg9[%swap3A_86, %swap3A_87, %swap3A_88] : memref<16x256x64xbf16, #tpu.memory_space<vmem>>, vector<1x256x64xbf16>
    %swap3A_90 = vector.shape_cast %swap3A_89 : vector<1x256x64xbf16> to vector<256x64xbf16>
    %swap3A_91 = vector.shape_cast %convert_element_type3A_85 : vector<256x64xbf16> to vector<1x256x64xbf16>
    tpu.vector_store %arg9[%swap3A_86, %swap3A_87, %swap3A_88], %swap3A_91 {strides = array<i32>} : memref<16x256x64xbf16, #tpu.memory_space<vmem>>, vector<1x256x64xbf16>,
    %slice3A_92 = vector.extract_strided_slice %mul3A_53 {offsets = [0, 320], sizes = [256, 64], strides = [1, 1]} : vector<256x1024xf32> to vector<256x64xf32>
    %convert_element_type3A_93 = arith.truncf %slice3A_92 : vector<256x64xf32> to vector<256x64xbf16>
    %swap3A_94 = arith.constant 5 : index
    %swap3A_95 = arith.constant 0 : index
    %swap3A_96 = arith.constant 0 : index
    %swap3A_97 = vector.load %arg9[%swap3A_94, %swap3A_95, %swap3A_96] : memref<16x256x64xbf16, #tpu.memory_space<vmem>>, vector<1x256x64xbf16>
    %swap3A_98 = vector.shape_cast %swap3A_97 : vector<1x256x64xbf16> to vector<256x64xbf16>
    %swap3A_99 = vector.shape_cast %convert_element_type3A_93 : vector<256x64xbf16> to vector<1x256x64xbf16>
    tpu.vector_store %arg9[%swap3A_94, %swap3A_95, %swap3A_96], %swap3A_99 {strides = array<i32>} : memref<16x256x64xbf16, #tpu.memory_space<vmem>>, vector<1x256x64xbf16>,
    %slice3A_100 = vector.extract_strided_slice %mul3A_53 {offsets = [0, 384], sizes = [256, 64], strides = [1, 1]} : vector<256x1024xf32> to vector<256x64xf32>
    %convert_element_type3A_101 = arith.truncf %slice3A_100 : vector<256x64xf32> to vector<256x64xbf16>
    %swap3A_102 = arith.constant 6 : index
    %swap3A_103 = arith.constant 0 : index
    %swap3A_104 = arith.constant 0 : index
    %swap3A_105 = vector.load %arg9[%swap3A_102, %swap3A_103, %swap3A_104] : memref<16x256x64xbf16, #tpu.memory_space<vmem>>, vector<1x256x64xbf16>
    %swap3A_106 = vector.shape_cast %swap3A_105 : vector<1x256x64xbf16> to vector<256x64xbf16>
    %swap3A_107 = vector.shape_cast %convert_element_type3A_101 : vector<256x64xbf16> to vector<1x256x64xbf16>
    tpu.vector_store %arg9[%swap3A_102, %swap3A_103, %swap3A_104], %swap3A_107 {strides = array<i32>} : memref<16x256x64xbf16, #tpu.memory_space<vmem>>, vector<1x256x64xbf16>,
    %slice3A_108 = vector.extract_strided_slice %mul3A_53 {offsets = [0, 448], sizes = [256, 64], strides = [1, 1]} : vector<256x1024xf32> to vector<256x64xf32>
    %convert_element_type3A_109 = arith.truncf %slice3A_108 : vector<256x64xf32> to vector<256x64xbf16>
    %swap3A_110 = arith.constant 7 : index
    %swap3A_111 = arith.constant 0 : index
    %swap3A_112 = arith.constant 0 : index
    %swap3A_113 = vector.load %arg9[%swap3A_110, %swap3A_111, %swap3A_112] : memref<16x256x64xbf16, #tpu.memory_space<vmem>>, vector<1x256x64xbf16>
    %swap3A_114 = vector.shape_cast %swap3A_113 : vector<1x256x64xbf16> to vector<256x64xbf16>
    %swap3A_115 = vector.shape_cast %convert_element_type3A_109 : vector<256x64xbf16> to vector<1x256x64xbf16>
    tpu.vector_store %arg9[%swap3A_110, %swap3A_111, %swap3A_112], %swap3A_115 {strides = array<i32>} : memref<16x256x64xbf16, #tpu.memory_space<vmem>>, vector<1x256x64xbf16>,
    %slice3A_116 = vector.extract_strided_slice %mul3A_53 {offsets = [0, 512], sizes = [256, 64], strides = [1, 1]} : vector<256x1024xf32> to vector<256x64xf32>
    %convert_element_type3A_117 = arith.truncf %slice3A_116 : vector<256x64xf32> to vector<256x64xbf16>
    %swap3A_118 = arith.constant 8 : index
    %swap3A_119 = arith.constant 0 : index
    %swap3A_120 = arith.constant 0 : index
    %swap3A_121 = vector.load %arg9[%swap3A_118, %swap3A_119, %swap3A_120] : memref<16x256x64xbf16, #tpu.memory_space<vmem>>, vector<1x256x64xbf16>
    %swap3A_122 = vector.shape_cast %swap3A_121 : vector<1x256x64xbf16> to vector<256x64xbf16>
    %swap3A_123 = vector.shape_cast %convert_element_type3A_117 : vector<256x64xbf16> to vector<1x256x64xbf16>
    tpu.vector_store %arg9[%swap3A_118, %swap3A_119, %swap3A_120], %swap3A_123 {strides = array<i32>} : memref<16x256x64xbf16, #tpu.memory_space<vmem>>, vector<1x256x64xbf16>,
    %slice3A_124 = vector.extract_strided_slice %mul3A_53 {offsets = [0, 576], sizes = [256, 64], strides = [1, 1]} : vector<256x1024xf32> to vector<256x64xf32>
    %convert_element_type3A_125 = arith.truncf %slice3A_124 : vector<256x64xf32> to vector<256x64xbf16>
    %swap3A_126 = arith.constant 9 : index
    %swap3A_127 = arith.constant 0 : index
    %swap3A_128 = arith.constant 0 : index
    %swap3A_129 = vector.load %arg9[%swap3A_126, %swap3A_127, %swap3A_128] : memref<16x256x64xbf16, #tpu.memory_space<vmem>>, vector<1x256x64xbf16>
    %swap3A_130 = vector.shape_cast %swap3A_129 : vector<1x256x64xbf16> to vector<256x64xbf16>
    %swap3A_131 = vector.shape_cast %convert_element_type3A_125 : vector<256x64xbf16> to vector<1x256x64xbf16>
    tpu.vector_store %arg9[%swap3A_126, %swap3A_127, %swap3A_128], %swap3A_131 {strides = array<i32>} : memref<16x256x64xbf16, #tpu.memory_space<vmem>>, vector<1x256x64xbf16>,
    %slice3A_132 = vector.extract_strided_slice %mul3A_53 {offsets = [0, 640], sizes = [256, 64], strides = [1, 1]} : vector<256x1024xf32> to vector<256x64xf32>
    %convert_element_type3A_133 = arith.truncf %slice3A_132 : vector<256x64xf32> to vector<256x64xbf16>
    %swap3A_134 = arith.constant 10 : index
    %swap3A_135 = arith.constant 0 : index
    %swap3A_136 = arith.constant 0 : index
    %swap3A_137 = vector.load %arg9[%swap3A_134, %swap3A_135, %swap3A_136] : memref<16x256x64xbf16, #tpu.memory_space<vmem>>, vector<1x256x64xbf16>
    %swap3A_138 = vector.shape_cast %swap3A_137 : vector<1x256x64xbf16> to vector<256x64xbf16>
    %swap3A_139 = vector.shape_cast %convert_element_type3A_133 : vector<256x64xbf16> to vector<1x256x64xbf16>
    tpu.vector_store %arg9[%swap3A_134, %swap3A_135, %swap3A_136], %swap3A_139 {strides = array<i32>} : memref<16x256x64xbf16, #tpu.memory_space<vmem>>, vector<1x256x64xbf16>,
    %slice3A_140 = vector.extract_strided_slice %mul3A_53 {offsets = [0, 704], sizes = [256, 64], strides = [1, 1]} : vector<256x1024xf32> to vector<256x64xf32>
    %convert_element_type3A_141 = arith.truncf %slice3A_140 : vector<256x64xf32> to vector<256x64xbf16>
    %swap3A_142 = arith.constant 11 : index
    %swap3A_143 = arith.constant 0 : index
    %swap3A_144 = arith.constant 0 : index
    %swap3A_145 = vector.load %arg9[%swap3A_142, %swap3A_143, %swap3A_144] : memref<16x256x64xbf16, #tpu.memory_space<vmem>>, vector<1x256x64xbf16>
    %swap3A_146 = vector.shape_cast %swap3A_145 : vector<1x256x64xbf16> to vector<256x64xbf16>
    %swap3A_147 = vector.shape_cast %convert_element_type3A_141 : vector<256x64xbf16> to vector<1x256x64xbf16>
    tpu.vector_store %arg9[%swap3A_142, %swap3A_143, %swap3A_144], %swap3A_147 {strides = array<i32>} : memref<16x256x64xbf16, #tpu.memory_space<vmem>>, vector<1x256x64xbf16>,
    %slice3A_148 = vector.extract_strided_slice %mul3A_53 {offsets = [0, 768], sizes = [256, 64], strides = [1, 1]} : vector<256x1024xf32> to vector<256x64xf32>
    %convert_element_type3A_149 = arith.truncf %slice3A_148 : vector<256x64xf32> to vector<256x64xbf16>
    %swap3A_150 = arith.constant 12 : index
    %swap3A_151 = arith.constant 0 : index
    %swap3A_152 = arith.constant 0 : index
    %swap3A_153 = vector.load %arg9[%swap3A_150, %swap3A_151, %swap3A_152] : memref<16x256x64xbf16, #tpu.memory_space<vmem>>, vector<1x256x64xbf16>
    %swap3A_154 = vector.shape_cast %swap3A_153 : vector<1x256x64xbf16> to vector<256x64xbf16>
    %swap3A_155 = vector.shape_cast %convert_element_type3A_149 : vector<256x64xbf16> to vector<1x256x64xbf16>
    tpu.vector_store %arg9[%swap3A_150, %swap3A_151, %swap3A_152], %swap3A_155 {strides = array<i32>} : memref<16x256x64xbf16, #tpu.memory_space<vmem>>, vector<1x256x64xbf16>,
    %slice3A_156 = vector.extract_strided_slice %mul3A_53 {offsets = [0, 832], sizes = [256, 64], strides = [1, 1]} : vector<256x1024xf32> to vector<256x64xf32>
    %convert_element_type3A_157 = arith.truncf %slice3A_156 : vector<256x64xf32> to vector<256x64xbf16>
    %swap3A_158 = arith.constant 13 : index
    %swap3A_159 = arith.constant 0 : index
    %swap3A_160 = arith.constant 0 : index
    %swap3A_161 = vector.load %arg9[%swap3A_158, %swap3A_159, %swap3A_160] : memref<16x256x64xbf16, #tpu.memory_space<vmem>>, vector<1x256x64xbf16>
    %swap3A_162 = vector.shape_cast %swap3A_161 : vector<1x256x64xbf16> to vector<256x64xbf16>
    %swap3A_163 = vector.shape_cast %convert_element_type3A_157 : vector<256x64xbf16> to vector<1x256x64xbf16>
    tpu.vector_store %arg9[%swap3A_158, %swap3A_159, %swap3A_160], %swap3A_163 {strides = array<i32>} : memref<16x256x64xbf16, #tpu.memory_space<vmem>>, vector<1x256x64xbf16>,
    %slice3A_164 = vector.extract_strided_slice %mul3A_53 {offsets = [0, 896], sizes = [256, 64], strides = [1, 1]} : vector<256x1024xf32> to vector<256x64xf32>
    %convert_element_type3A_165 = arith.truncf %slice3A_164 : vector<256x64xf32> to vector<256x64xbf16>
    %swap3A_166 = arith.constant 14 : index
    %swap3A_167 = arith.constant 0 : index
    %swap3A_168 = arith.constant 0 : index
    %swap3A_169 = vector.load %arg9[%swap3A_166, %swap3A_167, %swap3A_168] : memref<16x256x64xbf16, #tpu.memory_space<vmem>>, vector<1x256x64xbf16>
    %swap3A_170 = vector.shape_cast %swap3A_169 : vector<1x256x64xbf16> to vector<256x64xbf16>
    %swap3A_171 = vector.shape_cast %convert_element_type3A_165 : vector<256x64xbf16> to vector<1x256x64xbf16>
    tpu.vector_store %arg9[%swap3A_166, %swap3A_167, %swap3A_168], %swap3A_171 {strides = array<i32>} : memref<16x256x64xbf16, #tpu.memory_space<vmem>>, vector<1x256x64xbf16>,
    %slice3A_172 = vector.extract_strided_slice %mul3A_53 {offsets = [0, 960], sizes = [256, 64], strides = [1, 1]} : vector<256x1024xf32> to vector<256x64xf32>
    %convert_element_type3A_173 = arith.truncf %slice3A_172 : vector<256x64xf32> to vector<256x64xbf16>
    %swap3A_174 = arith.constant 15 : index
    %swap3A_175 = arith.constant 0 : index
    %swap3A_176 = arith.constant 0 : index
    %swap3A_177 = vector.load %arg9[%swap3A_174, %swap3A_175, %swap3A_176] : memref<16x256x64xbf16, #tpu.memory_space<vmem>>, vector<1x256x64xbf16>
    %swap3A_178 = vector.shape_cast %swap3A_177 : vector<1x256x64xbf16> to vector<256x64xbf16>
    %swap3A_179 = vector.shape_cast %convert_element_type3A_173 : vector<256x64xbf16> to vector<1x256x64xbf16>
    tpu.vector_store %arg9[%swap3A_174, %swap3A_175, %swap3A_176], %swap3A_179 {strides = array<i32>} : memref<16x256x64xbf16, #tpu.memory_space<vmem>>, vector<1x256x64xbf16>,
    %get3A_180 = arith.constant 0 : index
    %get3A_181 = arith.constant 0 : index
    %get3A_182 = vector.load %arg4[%get3A_180, %get3A_181] : memref<256x1024xf32, #tpu.memory_space<vmem>>, vector<256x1024xf32>
    %convert_element_type3A_183 = arith.truncf %get3A_182 : vector<256x1024xf32> to vector<256x1024xbf16>
    %dot_general3A_184 = arith.constant dense<0.000000e+00> : vector<256x256xf32>
    %dot_general3A_185 = tpu.matmul %convert_element_type3A, %convert_element_type3A_183, %dot_general3A_184 {dimension_numbers = #tpu.dot_dimension_numbers<[1], [1], [0], [0], [0, 0, 1, 0], [], []>, transpose_lhs_hint = false} : vector<256x1024xbf16>, vector<256x1024xbf16>, vector<256x256xf32> -> vector<256x256xf32>
    %mul3A_186 = arith.mulf %dot_general3A_185, %dot_general3A_185 : vector<256x256xf32>
    %get3A_187 = arith.constant 0 : index
    %get3A_188 = arith.constant 0 : index
    %get3A_189 = vector.load %arg8[%get3A_187, %get3A_188] : memref<1024x16xf32, #tpu.memory_space<vmem>>, vector<256x4xf32>
    %dot_general3A_190 = arith.constant dense<0.000000e+00> : vector<256x4xf32>
    %dot_general3A_191 = tpu.matmul %mul3A_186, %get3A_189, %dot_general3A_190 {dimension_numbers = #tpu.dot_dimension_numbers<[1], [0], [0], [1], [0, 0, 1, 1], [], []>, transpose_lhs_hint = false} : vector<256x256xf32>, vector<256x4xf32>, vector<256x4xf32> -> vector<256x4xf32>
    %mul3A_192 = arith.constant 1.562500e-02 : f32
    %mul3A_193 = vector.broadcast %mul3A_192 : f32 to vector<256x4xf32>
    %mul3A_194 = arith.mulf %dot_general3A_191, %mul3A_193 : vector<256x4xf32>
    %add3A_195 = arith.constant 9.99999997E-7 : f32
    %add3A_196 = vector.broadcast %add3A_195 : f32 to vector<256x4xf32>
    %add3A_197 = arith.addf %mul3A_194, %add3A_196 : vector<256x4xf32>
    %rsqrt3A_198 = math.rsqrt %add3A_197 : vector<256x4xf32>
    %mul3A_199 = arith.constant 1.000000e+00 : f32
    %mul3A_200 = vector.broadcast %mul3A_199 : f32 to vector<256x4xf32>
    %mul3A_201 = arith.mulf %rsqrt3A_198, %mul3A_200 : vector<256x4xf32>
    %get3A_202 = arith.constant 0 : index
    %get3A_203 = arith.constant 0 : index
    %get3A_204 = vector.load %arg8[%get3A_202, %get3A_203] : memref<1024x16xf32, #tpu.memory_space<vmem>>, vector<256x4xf32>
    %dot_general3A_205 = arith.constant dense<0.000000e+00> : vector<256x256xf32>
    %dot_general3A_206 = tpu.matmul %mul3A_201, %get3A_204, %dot_general3A_205 {dimension_numbers = #tpu.dot_dimension_numbers<[1], [1], [0], [0], [0, 0, 1, 0], [], []>, transpose_lhs_hint = false} : vector<256x4xf32>, vector<256x4xf32>, vector<256x256xf32> -> vector<256x256xf32>
    %convert_element_type3A_207 = arith.truncf %dot_general3A_185 : vector<256x256xf32> to vector<256x256xbf16>
    %get3A_208 = arith.constant 0 : index
    %get3A_209 = arith.constant 0 : index
    %get3A_210 = vector.load %arg7[%get3A_208, %get3A_209] : memref<1024x1024xbf16, #tpu.memory_space<vmem>>, vector<256x256xbf16>
    %dot_general3A_211 = arith.constant dense<0.000000e+00> : vector<256x256xf32>
    %dot_general3A_212 = tpu.matmul %convert_element_type3A_207, %get3A_210, %dot_general3A_211 {dimension_numbers = #tpu.dot_dimension_numbers<[1], [0], [0], [1], [0, 0, 1, 1], [], []>, transpose_lhs_hint = false} : vector<256x256xbf16>, vector<256x256xbf16>, vector<256x256xf32> -> vector<256x256xf32>
    %slice3A_213 = vector.extract_strided_slice %concatenate3A {offsets = [0, 0], sizes = [256, 256], strides = [1, 1]} : vector<256x1024xf32> to vector<256x256xf32>
    %mul3A_214 = arith.mulf %dot_general3A_185, %slice3A_213 : vector<256x256xf32>
    %slice3A_215 = vector.extract_strided_slice %concatenate3A_17 {offsets = [0, 0], sizes = [256, 256], strides = [1, 1]} : vector<256x1024xf32> to vector<256x256xf32>
    %mul3A_216 = arith.mulf %dot_general3A_212, %slice3A_215 : vector<256x256xf32>
    %add3A_217 = arith.addf %mul3A_214, %mul3A_216 : vector<256x256xf32>
    %mul3A_218 = arith.mulf %add3A_217, %dot_general3A_206 : vector<256x256xf32>
    %slice3A_219 = vector.extract_strided_slice %mul3A_218 {offsets = [0, 0], sizes = [256, 64], strides = [1, 1]} : vector<256x256xf32> to vector<256x64xf32>
    %convert_element_type3A_220 = arith.truncf %slice3A_219 : vector<256x64xf32> to vector<256x64xbf16>
    %swap3A_221 = arith.constant 0 : index
    %swap3A_222 = arith.constant 0 : index
    %swap3A_223 = arith.constant 0 : index
    %swap3A_224 = vector.load %arg10[%swap3A_221, %swap3A_222, %swap3A_223] : memref<4x256x64xbf16, #tpu.memory_space<vmem>>, vector<1x256x64xbf16>
    %swap3A_225 = vector.shape_cast %swap3A_224 : vector<1x256x64xbf16> to vector<256x64xbf16>
    %swap3A_226 = vector.shape_cast %convert_element_type3A_220 : vector<256x64xbf16> to vector<1x256x64xbf16>
    tpu.vector_store %arg10[%swap3A_221, %swap3A_222, %swap3A_223], %swap3A_226 {strides = array<i32>} : memref<4x256x64xbf16, #tpu.memory_space<vmem>>, vector<1x256x64xbf16>,
    %slice3A_227 = vector.extract_strided_slice %mul3A_218 {offsets = [0, 64], sizes = [256, 64], strides = [1, 1]} : vector<256x256xf32> to vector<256x64xf32>
    %convert_element_type3A_228 = arith.truncf %slice3A_227 : vector<256x64xf32> to vector<256x64xbf16>
    %swap3A_229 = arith.constant 1 : index
    %swap3A_230 = arith.constant 0 : index
    %swap3A_231 = arith.constant 0 : index
    %swap3A_232 = vector.load %arg10[%swap3A_229, %swap3A_230, %swap3A_231] : memref<4x256x64xbf16, #tpu.memory_space<vmem>>, vector<1x256x64xbf16>
    %swap3A_233 = vector.shape_cast %swap3A_232 : vector<1x256x64xbf16> to vector<256x64xbf16>
    %swap3A_234 = vector.shape_cast %convert_element_type3A_228 : vector<256x64xbf16> to vector<1x256x64xbf16>
    tpu.vector_store %arg10[%swap3A_229, %swap3A_230, %swap3A_231], %swap3A_234 {strides = array<i32>} : memref<4x256x64xbf16, #tpu.memory_space<vmem>>, vector<1x256x64xbf16>,
    %slice3A_235 = vector.extract_strided_slice %mul3A_218 {offsets = [0, 128], sizes = [256, 64], strides = [1, 1]} : vector<256x256xf32> to vector<256x64xf32>
    %convert_element_type3A_236 = arith.truncf %slice3A_235 : vector<256x64xf32> to vector<256x64xbf16>
    %swap3A_237 = arith.constant 2 : index
    %swap3A_238 = arith.constant 0 : index
    %swap3A_239 = arith.constant 0 : index
    %swap3A_240 = vector.load %arg10[%swap3A_237, %swap3A_238, %swap3A_239] : memref<4x256x64xbf16, #tpu.memory_space<vmem>>, vector<1x256x64xbf16>
    %swap3A_241 = vector.shape_cast %swap3A_240 : vector<1x256x64xbf16> to vector<256x64xbf16>
    %swap3A_242 = vector.shape_cast %convert_element_type3A_236 : vector<256x64xbf16> to vector<1x256x64xbf16>
    tpu.vector_store %arg10[%swap3A_237, %swap3A_238, %swap3A_239], %swap3A_242 {strides = array<i32>} : memref<4x256x64xbf16, #tpu.memory_space<vmem>>, vector<1x256x64xbf16>,
    %slice3A_243 = vector.extract_strided_slice %mul3A_218 {offsets = [0, 192], sizes = [256, 64], strides = [1, 1]} : vector<256x256xf32> to vector<256x64xf32>
    %convert_element_type3A_244 = arith.truncf %slice3A_243 : vector<256x64xf32> to vector<256x64xbf16>
    %swap3A_245 = arith.constant 3 : index
    %swap3A_246 = arith.constant 0 : index
    %swap3A_247 = arith.constant 0 : index
    %swap3A_248 = vector.load %arg10[%swap3A_245, %swap3A_246, %swap3A_247] : memref<4x256x64xbf16, #tpu.memory_space<vmem>>, vector<1x256x64xbf16>
    %swap3A_249 = vector.shape_cast %swap3A_248 : vector<1x256x64xbf16> to vector<256x64xbf16>
    %swap3A_250 = vector.shape_cast %convert_element_type3A_244 : vector<256x64xbf16> to vector<1x256x64xbf16>
    tpu.vector_store %arg10[%swap3A_245, %swap3A_246, %swap3A_247], %swap3A_250 {strides = array<i32>} : memref<4x256x64xbf16, #tpu.memory_space<vmem>>, vector<1x256x64xbf16>,
    %get3A_251 = arith.constant 0 : index
    %get3A_252 = arith.constant 0 : index
    %get3A_253 = vector.load %arg5[%get3A_251, %get3A_252] : memref<256x1024xf32, #tpu.memory_space<vmem>>, vector<256x1024xf32>
    %convert_element_type3A_254 = arith.truncf %get3A_253 : vector<256x1024xf32> to vector<256x1024xbf16>
    %dot_general3A_255 = arith.constant dense<0.000000e+00> : vector<256x256xf32>
    %dot_general3A_256 = tpu.matmul %convert_element_type3A, %convert_element_type3A_254, %dot_general3A_255 {dimension_numbers = #tpu.dot_dimension_numbers<[1], [1], [0], [0], [0, 0, 1, 0], [], []>, transpose_lhs_hint = false} : vector<256x1024xbf16>, vector<256x1024xbf16>, vector<256x256xf32> -> vector<256x256xf32>
    %slice3A_257 = vector.extract_strided_slice %dot_general3A_256 {offsets = [0, 0], sizes = [256, 64], strides = [1, 1]} : vector<256x256xf32> to vector<256x64xf32>
    %convert_element_type3A_258 = arith.truncf %slice3A_257 : vector<256x64xf32> to vector<256x64xbf16>
    %swap3A_259 = arith.constant 0 : index
    %swap3A_260 = arith.constant 0 : index
    %swap3A_261 = arith.constant 0 : index
    %swap3A_262 = vector.load %arg11[%swap3A_259, %swap3A_260, %swap3A_261] : memref<4x256x64xbf16, #tpu.memory_space<vmem>>, vector<1x256x64xbf16>
    %swap3A_263 = vector.shape_cast %swap3A_262 : vector<1x256x64xbf16> to vector<256x64xbf16>
    %swap3A_264 = vector.shape_cast %convert_element_type3A_258 : vector<256x64xbf16> to vector<1x256x64xbf16>
    tpu.vector_store %arg11[%swap3A_259, %swap3A_260, %swap3A_261], %swap3A_264 {strides = array<i32>} : memref<4x256x64xbf16, #tpu.memory_space<vmem>>, vector<1x256x64xbf16>,
    %slice3A_265 = vector.extract_strided_slice %dot_general3A_256 {offsets = [0, 64], sizes = [256, 64], strides = [1, 1]} : vector<256x256xf32> to vector<256x64xf32>
    %convert_element_type3A_266 = arith.truncf %slice3A_265 : vector<256x64xf32> to vector<256x64xbf16>
    %swap3A_267 = arith.constant 1 : index
    %swap3A_268 = arith.constant 0 : index
    %swap3A_269 = arith.constant 0 : index
    %swap3A_270 = vector.load %arg11[%swap3A_267, %swap3A_268, %swap3A_269] : memref<4x256x64xbf16, #tpu.memory_space<vmem>>, vector<1x256x64xbf16>
    %swap3A_271 = vector.shape_cast %swap3A_270 : vector<1x256x64xbf16> to vector<256x64xbf16>
    %swap3A_272 = vector.shape_cast %convert_element_type3A_266 : vector<256x64xbf16> to vector<1x256x64xbf16>
    tpu.vector_store %arg11[%swap3A_267, %swap3A_268, %swap3A_269], %swap3A_272 {strides = array<i32>} : memref<4x256x64xbf16, #tpu.memory_space<vmem>>, vector<1x256x64xbf16>,
    %slice3A_273 = vector.extract_strided_slice %dot_general3A_256 {offsets = [0, 128], sizes = [256, 64], strides = [1, 1]} : vector<256x256xf32> to vector<256x64xf32>
    %convert_element_type3A_274 = arith.truncf %slice3A_273 : vector<256x64xf32> to vector<256x64xbf16>
    %swap3A_275 = arith.constant 2 : index
    %swap3A_276 = arith.constant 0 : index
    %swap3A_277 = arith.constant 0 : index
    %swap3A_278 = vector.load %arg11[%swap3A_275, %swap3A_276, %swap3A_277] : memref<4x256x64xbf16, #tpu.memory_space<vmem>>, vector<1x256x64xbf16>
    %swap3A_279 = vector.shape_cast %swap3A_278 : vector<1x256x64xbf16> to vector<256x64xbf16>
    %swap3A_280 = vector.shape_cast %convert_element_type3A_274 : vector<256x64xbf16> to vector<1x256x64xbf16>
    tpu.vector_store %arg11[%swap3A_275, %swap3A_276, %swap3A_277], %swap3A_280 {strides = array<i32>} : memref<4x256x64xbf16, #tpu.memory_space<vmem>>, vector<1x256x64xbf16>,
    %slice3A_281 = vector.extract_strided_slice %dot_general3A_256 {offsets = [0, 192], sizes = [256, 64], strides = [1, 1]} : vector<256x256xf32> to vector<256x64xf32>
    %convert_element_type3A_282 = arith.truncf %slice3A_281 : vector<256x64xf32> to vector<256x64xbf16>
    %swap3A_283 = arith.constant 3 : index
    %swap3A_284 = arith.constant 0 : index
    %swap3A_285 = arith.constant 0 : index
    %swap3A_286 = vector.load %arg11[%swap3A_283, %swap3A_284, %swap3A_285] : memref<4x256x64xbf16, #tpu.memory_space<vmem>>, vector<1x256x64xbf16>
    %swap3A_287 = vector.shape_cast %swap3A_286 : vector<1x256x64xbf16> to vector<256x64xbf16>
    %swap3A_288 = vector.shape_cast %convert_element_type3A_282 : vector<256x64xbf16> to vector<1x256x64xbf16>
    tpu.vector_store %arg11[%swap3A_283, %swap3A_284, %swap3A_285], %swap3A_288 {strides = array<i32>} : memref<4x256x64xbf16, #tpu.memory_space<vmem>>, vector<1x256x64xbf16>,
    return
  }
  func.func @transform_0(%arg0: i32) -> (i32, i32) {
    %c0_i32 = arith.constant 0 : i32
    %c0_i32_0 = arith.constant 0 : i32
    return %arg0, %c0_i32 : i32, i32
  }
  func.func @transform_1(%arg0: i32) -> (i32, i32) {
    %c0_i32 = arith.constant 0 : i32
    %c0_i32_0 = arith.constant 0 : i32
    %c0_i32_1 = arith.constant 0 : i32
    return %c0_i32, %c0_i32_0 : i32, i32
  }
  func.func @transform_2(%arg0: i32) -> (i32, i32) {
    %c0_i32 = arith.constant 0 : i32
    %c0_i32_0 = arith.constant 0 : i32
    %c0_i32_1 = arith.constant 0 : i32
    return %c0_i32, %c0_i32_0 : i32, i32
  }
  func.func @transform_3(%arg0: i32) -> (i32, i32) {
    %c0_i32 = arith.constant 0 : i32
    %c0_i32_0 = arith.constant 0 : i32
    %c0_i32_1 = arith.constant 0 : i32
    return %c0_i32, %c0_i32_0 : i32, i32
  }
  func.func @transform_4(%arg0: i32) -> (i32, i32) {
    %c0_i32 = arith.constant 0 : i32
    %c0_i32_0 = arith.constant 0 : i32
    %c0_i32_1 = arith.constant 0 : i32
    return %c0_i32, %c0_i32_0 : i32, i32
  }
  func.func @transform_5(%arg0: i32) -> (i32, i32) {
    %c0_i32 = arith.constant 0 : i32
    %c0_i32_0 = arith.constant 0 : i32
    return %arg0, %c0_i32 : i32, i32
  }
  func.func @transform_6(%arg0: i32) -> (i32, i32) {
    %c0_i32 = arith.constant 0 : i32
    %c0_i32_0 = arith.constant 0 : i32
    %c0_i32_1 = arith.constant 0 : i32
    return %c0_i32, %c0_i32_0 : i32, i32
  }
  func.func @transform_7(%arg0: i32) -> (i32, i32) {
    %c0_i32 = arith.constant 0 : i32
    %c0_i32_0 = arith.constant 0 : i32
    %c0_i32_1 = arith.constant 0 : i32
    return %c0_i32, %c0_i32_0 : i32, i32
  }
  func.func @transform_8(%arg0: i32) -> (i32, i32, i32) {
    %c0_i32 = arith.constant 0 : i32
    %c0_i32_0 = arith.constant 0 : i32
    %c0_i32_1 = arith.constant 0 : i32
    return %c0_i32, %arg0, %c0_i32_0 : i32, i32, i32
  }
  func.func @transform_9(%arg0: i32) -> (i32, i32, i32) {
    %c0_i32 = arith.constant 0 : i32
    %c0_i32_0 = arith.constant 0 : i32
    %c0_i32_1 = arith.constant 0 : i32
    return %c0_i32, %arg0, %c0_i32_0 : i32, i32, i32
  }
  func.func @transform_10(%arg0: i32) -> (i32, i32, i32) {
    %c0_i32 = arith.constant 0 : i32
    %c0_i32_0 = arith.constant 0 : i32
    %c0_i32_1 = arith.constant 0 : i32
    return %c0_i32, %arg0, %c0_i32_0 : i32, i32, i32
  }
}

module attributes {stable_mosaic.version = 14 : i64} {
  func.func @_ffn_body(%arg0: i32, %arg1: memref<512x512xi32, #tpu.memory_space<vmem>>, %arg2: memref<2x512x1024xf32, #tpu.memory_space<vmem>>, %arg3: memref<2x512x1024xf32, #tpu.memory_space<vmem>>, %arg4: memref<2x1024x512xf32, #tpu.memory_space<vmem>>, %arg5: memref<512x512xi32, #tpu.memory_space<vmem>>) attributes {dimension_semantics = [#tpu.dimension_semantics<arbitrary>], iteration_bounds = array<i64: 32>, scalar_prefetch = 0 : i64, scratch_operands = 0 : i64, tpu.core_type = #tpu.core_type<tc>, window_params = [{transform_indices = @transform_0, window_bounds = array<i64: 512, 512>}, {transform_indices = @transform_1, window_bounds = array<i64: 2, 512, 1024>}, {transform_indices = @transform_2, window_bounds = array<i64: 2, 512, 1024>}, {transform_indices = @transform_3, window_bounds = array<i64: 2, 1024, 512>}, {transform_indices = @transform_4, window_bounds = array<i64: 512, 512>}]} {
    %get3A = arith.constant 0 : index
    %get3A_0 = arith.constant 0 : index
    %get3A_1 = vector.load %arg1[%get3A, %get3A_0] : memref<512x512xi32, #tpu.memory_space<vmem>>, vector<256x512xi32>
    %shift_left3A = arith.constant 16 : i32
    %shift_left3A_2 = vector.broadcast %shift_left3A : i32 to vector<256x512xi32>
    %shift_left3A_3 = arith.shli %get3A_1, %shift_left3A_2 : vector<256x512xi32>
    %bitcast_convert_type3A = tpu.bitcast %shift_left3A_3 : vector<256x512xi32> -> vector<256x512xf32>
    %and3A = arith.constant -65536 : i32
    %and3A_4 = vector.broadcast %and3A : i32 to vector<256x512xi32>
    %and3A_5 = arith.andi %get3A_1, %and3A_4 : vector<256x512xi32>
    %bitcast_convert_type3A_6 = tpu.bitcast %and3A_5 : vector<256x512xi32> -> vector<256x512xf32>
    %concatenate3A = tpu.concatenate %bitcast_convert_type3A, %bitcast_convert_type3A_6 in 1 : vector<256x512xf32>, vector<256x512xf32> -> vector<256x1024xf32>
    %get3A_7 = arith.constant 0 : index
    %get3A_8 = arith.constant 0 : index
    %get3A_9 = arith.constant 0 : index
    %get3A_10 = vector.load %arg2[%get3A_7, %get3A_8, %get3A_9] : memref<2x512x1024xf32, #tpu.memory_space<vmem>>, vector<1x512x1024xf32>
    %get3A_11 = vector.shape_cast %get3A_10 : vector<1x512x1024xf32> to vector<512x1024xf32>
    %dot_general3A = arith.constant dense<0.000000e+00> : vector<256x512xf32>
    %dot_general3A_12 = tpu.matmul %concatenate3A, %get3A_11, %dot_general3A {dimension_numbers = #tpu.dot_dimension_numbers<[1], [1], [0], [0], [0, 0, 1, 0], [], []>, transpose_lhs_hint = false} : vector<256x1024xf32>, vector<512x1024xf32>, vector<256x512xf32> -> vector<256x512xf32>
    %get3A_13 = arith.constant 0 : index
    %get3A_14 = arith.constant 0 : index
    %get3A_15 = arith.constant 0 : index
    %get3A_16 = vector.load %arg3[%get3A_13, %get3A_14, %get3A_15] : memref<2x512x1024xf32, #tpu.memory_space<vmem>>, vector<1x512x1024xf32>
    %get3A_17 = vector.shape_cast %get3A_16 : vector<1x512x1024xf32> to vector<512x1024xf32>
    %dot_general3A_18 = arith.constant dense<0.000000e+00> : vector<256x512xf32>
    %dot_general3A_19 = tpu.matmul %concatenate3A, %get3A_17, %dot_general3A_18 {dimension_numbers = #tpu.dot_dimension_numbers<[1], [1], [0], [0], [0, 0, 1, 0], [], []>, transpose_lhs_hint = false} : vector<256x1024xf32>, vector<512x1024xf32>, vector<256x512xf32> -> vector<256x512xf32>
    %neg3A = arith.constant 0.000000e+00 : f32
    %neg3A_20 = vector.broadcast %neg3A : f32 to vector<256x512xf32>
    %neg3A_21 = arith.subf %neg3A_20, %dot_general3A_12 : vector<256x512xf32>
    %exp3A = math.exp %neg3A_21 : vector<256x512xf32>
    %add3A = arith.constant 1.000000e+00 : f32
    %add3A_22 = vector.broadcast %add3A : f32 to vector<256x512xf32>
    %add3A_23 = arith.addf %add3A_22, %exp3A : vector<256x512xf32>
    %div3A = arith.constant 1.000000e+00 : f32
    %div3A_24 = vector.broadcast %div3A : f32 to vector<256x512xf32>
    %div3A_25 = arith.divf %div3A_24, %add3A_23 : vector<256x512xf32>
    %mul3A = arith.mulf %dot_general3A_12, %div3A_25 : vector<256x512xf32>
    %mul3A_26 = arith.mulf %mul3A, %dot_general3A_19 : vector<256x512xf32>
    %get3A_27 = arith.constant 0 : index
    %get3A_28 = arith.constant 0 : index
    %get3A_29 = arith.constant 0 : index
    %get3A_30 = vector.load %arg4[%get3A_27, %get3A_28, %get3A_29] : memref<2x1024x512xf32, #tpu.memory_space<vmem>>, vector<1x1024x512xf32>
    %get3A_31 = vector.shape_cast %get3A_30 : vector<1x1024x512xf32> to vector<1024x512xf32>
    %dot_general3A_32 = arith.constant dense<0.000000e+00> : vector<256x1024xf32>
    %dot_general3A_33 = tpu.matmul %mul3A_26, %get3A_31, %dot_general3A_32 {dimension_numbers = #tpu.dot_dimension_numbers<[1], [1], [0], [0], [0, 0, 1, 0], [], []>, transpose_lhs_hint = false} : vector<256x512xf32>, vector<1024x512xf32>, vector<256x1024xf32> -> vector<256x1024xf32>
    %bitcast_convert_type3A_34 = tpu.bitcast %dot_general3A_33 : vector<256x1024xf32> -> vector<256x1024xi32>
    %add3A_35 = arith.constant 32768 : i32
    %add3A_36 = vector.broadcast %add3A_35 : i32 to vector<256x1024xi32>
    %add3A_37 = arith.addi %bitcast_convert_type3A_34, %add3A_36 : vector<256x1024xi32>
    %slice3A = vector.extract_strided_slice %add3A_37 {offsets = [0, 0], sizes = [256, 512], strides = [1, 1]} : vector<256x1024xi32> to vector<256x512xi32>
    %shift_right_logical3A = arith.constant 16 : i32
    %shift_right_logical3A_38 = vector.broadcast %shift_right_logical3A : i32 to vector<256x512xi32>
    %shift_right_logical3A_39 = arith.shrui %slice3A, %shift_right_logical3A_38 : vector<256x512xi32>
    %slice3A_40 = vector.extract_strided_slice %add3A_37 {offsets = [0, 512], sizes = [256, 512], strides = [1, 1]} : vector<256x1024xi32> to vector<256x512xi32>
    %and3A_41 = arith.constant -65536 : i32
    %and3A_42 = vector.broadcast %and3A_41 : i32 to vector<256x512xi32>
    %and3A_43 = arith.andi %slice3A_40, %and3A_42 : vector<256x512xi32>
    %or3A = arith.ori %shift_right_logical3A_39, %and3A_43 : vector<256x512xi32>
    %swap3A = arith.constant 0 : index
    %swap3A_44 = arith.constant 0 : index
    %swap3A_45 = vector.load %arg5[%swap3A, %swap3A_44] : memref<512x512xi32, #tpu.memory_space<vmem>>, vector<256x512xi32>
    tpu.vector_store %arg5[%swap3A, %swap3A_44], %or3A {strides = array<i32>} : memref<512x512xi32, #tpu.memory_space<vmem>>, vector<256x512xi32>,
    %get3A_46 = arith.constant 256 : index
    %get3A_47 = arith.constant 0 : index
    %get3A_48 = vector.load %arg1[%get3A_46, %get3A_47] : memref<512x512xi32, #tpu.memory_space<vmem>>, vector<256x512xi32>
    %shift_left3A_49 = arith.constant 16 : i32
    %shift_left3A_50 = vector.broadcast %shift_left3A_49 : i32 to vector<256x512xi32>
    %shift_left3A_51 = arith.shli %get3A_48, %shift_left3A_50 : vector<256x512xi32>
    %bitcast_convert_type3A_52 = tpu.bitcast %shift_left3A_51 : vector<256x512xi32> -> vector<256x512xf32>
    %and3A_53 = arith.constant -65536 : i32
    %and3A_54 = vector.broadcast %and3A_53 : i32 to vector<256x512xi32>
    %and3A_55 = arith.andi %get3A_48, %and3A_54 : vector<256x512xi32>
    %bitcast_convert_type3A_56 = tpu.bitcast %and3A_55 : vector<256x512xi32> -> vector<256x512xf32>
    %concatenate3A_57 = tpu.concatenate %bitcast_convert_type3A_52, %bitcast_convert_type3A_56 in 1 : vector<256x512xf32>, vector<256x512xf32> -> vector<256x1024xf32>
    %get3A_58 = arith.constant 1 : index
    %get3A_59 = arith.constant 0 : index
    %get3A_60 = arith.constant 0 : index
    %get3A_61 = vector.load %arg2[%get3A_58, %get3A_59, %get3A_60] : memref<2x512x1024xf32, #tpu.memory_space<vmem>>, vector<1x512x1024xf32>
    %get3A_62 = vector.shape_cast %get3A_61 : vector<1x512x1024xf32> to vector<512x1024xf32>
    %dot_general3A_63 = arith.constant dense<0.000000e+00> : vector<256x512xf32>
    %dot_general3A_64 = tpu.matmul %concatenate3A_57, %get3A_62, %dot_general3A_63 {dimension_numbers = #tpu.dot_dimension_numbers<[1], [1], [0], [0], [0, 0, 1, 0], [], []>, transpose_lhs_hint = false} : vector<256x1024xf32>, vector<512x1024xf32>, vector<256x512xf32> -> vector<256x512xf32>
    %get3A_65 = arith.constant 1 : index
    %get3A_66 = arith.constant 0 : index
    %get3A_67 = arith.constant 0 : index
    %get3A_68 = vector.load %arg3[%get3A_65, %get3A_66, %get3A_67] : memref<2x512x1024xf32, #tpu.memory_space<vmem>>, vector<1x512x1024xf32>
    %get3A_69 = vector.shape_cast %get3A_68 : vector<1x512x1024xf32> to vector<512x1024xf32>
    %dot_general3A_70 = arith.constant dense<0.000000e+00> : vector<256x512xf32>
    %dot_general3A_71 = tpu.matmul %concatenate3A_57, %get3A_69, %dot_general3A_70 {dimension_numbers = #tpu.dot_dimension_numbers<[1], [1], [0], [0], [0, 0, 1, 0], [], []>, transpose_lhs_hint = false} : vector<256x1024xf32>, vector<512x1024xf32>, vector<256x512xf32> -> vector<256x512xf32>
    %neg3A_72 = arith.constant 0.000000e+00 : f32
    %neg3A_73 = vector.broadcast %neg3A_72 : f32 to vector<256x512xf32>
    %neg3A_74 = arith.subf %neg3A_73, %dot_general3A_64 : vector<256x512xf32>
    %exp3A_75 = math.exp %neg3A_74 : vector<256x512xf32>
    %add3A_76 = arith.constant 1.000000e+00 : f32
    %add3A_77 = vector.broadcast %add3A_76 : f32 to vector<256x512xf32>
    %add3A_78 = arith.addf %add3A_77, %exp3A_75 : vector<256x512xf32>
    %div3A_79 = arith.constant 1.000000e+00 : f32
    %div3A_80 = vector.broadcast %div3A_79 : f32 to vector<256x512xf32>
    %div3A_81 = arith.divf %div3A_80, %add3A_78 : vector<256x512xf32>
    %mul3A_82 = arith.mulf %dot_general3A_64, %div3A_81 : vector<256x512xf32>
    %mul3A_83 = arith.mulf %mul3A_82, %dot_general3A_71 : vector<256x512xf32>
    %get3A_84 = arith.constant 1 : index
    %get3A_85 = arith.constant 0 : index
    %get3A_86 = arith.constant 0 : index
    %get3A_87 = vector.load %arg4[%get3A_84, %get3A_85, %get3A_86] : memref<2x1024x512xf32, #tpu.memory_space<vmem>>, vector<1x1024x512xf32>
    %get3A_88 = vector.shape_cast %get3A_87 : vector<1x1024x512xf32> to vector<1024x512xf32>
    %dot_general3A_89 = arith.constant dense<0.000000e+00> : vector<256x1024xf32>
    %dot_general3A_90 = tpu.matmul %mul3A_83, %get3A_88, %dot_general3A_89 {dimension_numbers = #tpu.dot_dimension_numbers<[1], [1], [0], [0], [0, 0, 1, 0], [], []>, transpose_lhs_hint = false} : vector<256x512xf32>, vector<1024x512xf32>, vector<256x1024xf32> -> vector<256x1024xf32>
    %bitcast_convert_type3A_91 = tpu.bitcast %dot_general3A_90 : vector<256x1024xf32> -> vector<256x1024xi32>
    %add3A_92 = arith.constant 32768 : i32
    %add3A_93 = vector.broadcast %add3A_92 : i32 to vector<256x1024xi32>
    %add3A_94 = arith.addi %bitcast_convert_type3A_91, %add3A_93 : vector<256x1024xi32>
    %slice3A_95 = vector.extract_strided_slice %add3A_94 {offsets = [0, 0], sizes = [256, 512], strides = [1, 1]} : vector<256x1024xi32> to vector<256x512xi32>
    %shift_right_logical3A_96 = arith.constant 16 : i32
    %shift_right_logical3A_97 = vector.broadcast %shift_right_logical3A_96 : i32 to vector<256x512xi32>
    %shift_right_logical3A_98 = arith.shrui %slice3A_95, %shift_right_logical3A_97 : vector<256x512xi32>
    %slice3A_99 = vector.extract_strided_slice %add3A_94 {offsets = [0, 512], sizes = [256, 512], strides = [1, 1]} : vector<256x1024xi32> to vector<256x512xi32>
    %and3A_100 = arith.constant -65536 : i32
    %and3A_101 = vector.broadcast %and3A_100 : i32 to vector<256x512xi32>
    %and3A_102 = arith.andi %slice3A_99, %and3A_101 : vector<256x512xi32>
    %or3A_103 = arith.ori %shift_right_logical3A_98, %and3A_102 : vector<256x512xi32>
    %swap3A_104 = arith.constant 256 : index
    %swap3A_105 = arith.constant 0 : index
    %swap3A_106 = vector.load %arg5[%swap3A_104, %swap3A_105] : memref<512x512xi32, #tpu.memory_space<vmem>>, vector<256x512xi32>
    tpu.vector_store %arg5[%swap3A_104, %swap3A_105], %or3A_103 {strides = array<i32>} : memref<512x512xi32, #tpu.memory_space<vmem>>, vector<256x512xi32>,
    return
  }
  func.func @transform_0(%arg0: i32) -> (i32, i32) {
    %c0_i32 = arith.constant 0 : i32
    %c0_i32_0 = arith.constant 0 : i32
    return %arg0, %c0_i32 : i32, i32
  }
  func.func @transform_1(%arg0: i32) -> (i32, i32, i32) {
    %c0_i32 = arith.constant 0 : i32
    %c0_i32_0 = arith.constant 0 : i32
    %c0_i32_1 = arith.constant 0 : i32
    return %arg0, %c0_i32, %c0_i32_0 : i32, i32, i32
  }
  func.func @transform_2(%arg0: i32) -> (i32, i32, i32) {
    %c0_i32 = arith.constant 0 : i32
    %c0_i32_0 = arith.constant 0 : i32
    %c0_i32_1 = arith.constant 0 : i32
    return %arg0, %c0_i32, %c0_i32_0 : i32, i32, i32
  }
  func.func @transform_3(%arg0: i32) -> (i32, i32, i32) {
    %c0_i32 = arith.constant 0 : i32
    %c0_i32_0 = arith.constant 0 : i32
    %c0_i32_1 = arith.constant 0 : i32
    return %arg0, %c0_i32, %c0_i32_0 : i32, i32, i32
  }
  func.func @transform_4(%arg0: i32) -> (i32, i32) {
    %c0_i32 = arith.constant 0 : i32
    %c0_i32_0 = arith.constant 0 : i32
    return %arg0, %c0_i32 : i32, i32
  }
}

module attributes {stable_mosaic.version = 14 : i64} {
  func.func @_comb_body(%arg0: i32, %arg1: memref<256x1024xf32, #tpu.memory_space<vmem>>, %arg2: memref<256x512xi32, #tpu.memory_space<vmem>>, %arg3: memref<256x512xi32, #tpu.memory_space<vmem>>, %arg4: memref<256x1xf32, #tpu.memory_space<vmem>>, %arg5: memref<256x1xf32, #tpu.memory_space<vmem>>, %arg6: memref<256x1024xf32, #tpu.memory_space<vmem>>) attributes {dimension_semantics = [#tpu.dimension_semantics<arbitrary>], iteration_bounds = array<i64: 8>, scalar_prefetch = 0 : i64, scratch_operands = 0 : i64, tpu.core_type = #tpu.core_type<tc>, window_params = [{transform_indices = @transform_0, window_bounds = array<i64: 256, 1024>}, {transform_indices = @transform_1, window_bounds = array<i64: 256, 512>}, {transform_indices = @transform_2, window_bounds = array<i64: 256, 512>}, {transform_indices = @transform_3, window_bounds = array<i64: 256, 1>}, {transform_indices = @transform_4, window_bounds = array<i64: 256, 1>}, {transform_indices = @transform_5, window_bounds = array<i64: 256, 1024>}]} {
    %get3A = arith.constant 0 : index
    %get3A_0 = arith.constant 0 : index
    %get3A_1 = vector.load %arg1[%get3A, %get3A_0] : memref<256x1024xf32, #tpu.memory_space<vmem>>, vector<256x1024xf32>
    %get3A_2 = arith.constant 0 : index
    %get3A_3 = arith.constant 0 : index
    %get3A_4 = vector.load %arg4[%get3A_2, %get3A_3] : memref<256x1xf32, #tpu.memory_space<vmem>>, vector<256x1xf32>
    %get3A_5 = arith.constant 0 : index
    %get3A_6 = arith.constant 0 : index
    %get3A_7 = vector.load %arg2[%get3A_5, %get3A_6] : memref<256x512xi32, #tpu.memory_space<vmem>>, vector<256x512xi32>
    %shift_left3A = arith.constant 16 : i32
    %shift_left3A_8 = vector.broadcast %shift_left3A : i32 to vector<256x512xi32>
    %shift_left3A_9 = arith.shli %get3A_7, %shift_left3A_8 : vector<256x512xi32>
    %bitcast_convert_type3A = tpu.bitcast %shift_left3A_9 : vector<256x512xi32> -> vector<256x512xf32>
    %and3A = arith.constant -65536 : i32
    %and3A_10 = vector.broadcast %and3A : i32 to vector<256x512xi32>
    %and3A_11 = arith.andi %get3A_7, %and3A_10 : vector<256x512xi32>
    %bitcast_convert_type3A_12 = tpu.bitcast %and3A_11 : vector<256x512xi32> -> vector<256x512xf32>
    %concatenate3A = tpu.concatenate %bitcast_convert_type3A, %bitcast_convert_type3A_12 in 1 : vector<256x512xf32>, vector<256x512xf32> -> vector<256x1024xf32>
    %mul3A = vector.broadcast %get3A_4 : vector<256x1xf32> to vector<256x1024xf32>
    %mul3A_13 = arith.mulf %mul3A, %concatenate3A : vector<256x1024xf32>
    %add3A = arith.addf %get3A_1, %mul3A_13 : vector<256x1024xf32>
    %get3A_14 = arith.constant 0 : index
    %get3A_15 = arith.constant 0 : index
    %get3A_16 = vector.load %arg5[%get3A_14, %get3A_15] : memref<256x1xf32, #tpu.memory_space<vmem>>, vector<256x1xf32>
    %get3A_17 = arith.constant 0 : index
    %get3A_18 = arith.constant 0 : index
    %get3A_19 = vector.load %arg3[%get3A_17, %get3A_18] : memref<256x512xi32, #tpu.memory_space<vmem>>, vector<256x512xi32>
    %shift_left3A_20 = arith.constant 16 : i32
    %shift_left3A_21 = vector.broadcast %shift_left3A_20 : i32 to vector<256x512xi32>
    %shift_left3A_22 = arith.shli %get3A_19, %shift_left3A_21 : vector<256x512xi32>
    %bitcast_convert_type3A_23 = tpu.bitcast %shift_left3A_22 : vector<256x512xi32> -> vector<256x512xf32>
    %and3A_24 = arith.constant -65536 : i32
    %and3A_25 = vector.broadcast %and3A_24 : i32 to vector<256x512xi32>
    %and3A_26 = arith.andi %get3A_19, %and3A_25 : vector<256x512xi32>
    %bitcast_convert_type3A_27 = tpu.bitcast %and3A_26 : vector<256x512xi32> -> vector<256x512xf32>
    %concatenate3A_28 = tpu.concatenate %bitcast_convert_type3A_23, %bitcast_convert_type3A_27 in 1 : vector<256x512xf32>, vector<256x512xf32> -> vector<256x1024xf32>
    %mul3A_29 = vector.broadcast %get3A_16 : vector<256x1xf32> to vector<256x1024xf32>
    %mul3A_30 = arith.mulf %mul3A_29, %concatenate3A_28 : vector<256x1024xf32>
    %add3A_31 = arith.addf %add3A, %mul3A_30 : vector<256x1024xf32>
    %swap3A = arith.constant 0 : index
    %swap3A_32 = arith.constant 0 : index
    %swap3A_33 = vector.load %arg6[%swap3A, %swap3A_32] : memref<256x1024xf32, #tpu.memory_space<vmem>>, vector<256x1024xf32>
    tpu.vector_store %arg6[%swap3A, %swap3A_32], %add3A_31 {strides = array<i32>} : memref<256x1024xf32, #tpu.memory_space<vmem>>, vector<256x1024xf32>,
    return
  }
  func.func @transform_0(%arg0: i32) -> (i32, i32) {
    %c0_i32 = arith.constant 0 : i32
    %c0_i32_0 = arith.constant 0 : i32
    return %arg0, %c0_i32 : i32, i32
  }
  func.func @transform_1(%arg0: i32) -> (i32, i32) {
    %c0_i32 = arith.constant 0 : i32
    %c0_i32_0 = arith.constant 0 : i32
    return %arg0, %c0_i32 : i32, i32
  }
  func.func @transform_2(%arg0: i32) -> (i32, i32) {
    %c0_i32 = arith.constant 0 : i32
    %c0_i32_0 = arith.constant 0 : i32
    return %arg0, %c0_i32 : i32, i32
  }
  func.func @transform_3(%arg0: i32) -> (i32, i32) {
    %c0_i32 = arith.constant 0 : i32
    %c0_i32_0 = arith.constant 0 : i32
    return %arg0, %c0_i32 : i32, i32
  }
  func.func @transform_4(%arg0: i32) -> (i32, i32) {
    %c0_i32 = arith.constant 0 : i32
    %c0_i32_0 = arith.constant 0 : i32
    return %arg0, %c0_i32 : i32, i32
  }
  func.func @transform_5(%arg0: i32) -> (i32, i32) {
    %c0_i32 = arith.constant 0 : i32
    %c0_i32_0 = arith.constant 0 : i32
    return %arg0, %c0_i32 : i32, i32
  }
}

</mosaic_0001>

<sc_bundles>
// kernel: kernel.12.cloned.1.call-start
scs
__scs_entry_jumppad:
0x0: {  	(pc) =	sbr.rel $0x88, $3  }
0x1: {  	(tag) =	ssettag $0x0;
	lr =	simm.s32 $0x1  }
0x2: {  	[smem:$0x3F95] =	sst lr;
	_ =	strace $0xD0000000  }
0x3: {  	_ = 	snop  }
0x4: {  	_ = 	snop  }
0x5: {  	_ = 	snop  }
0x6: {  	_ = 	snop  }
0x7: {  	_ = 	snop  }
__scs_overlays_trampoline_lowered:
0x8: {  	[smem:$0x3FA4] =	sst s0  }
0x9: {  	[smem:$0x3FA5] =	sst s1  }
0xa: {  	[smem:$0x3FA6] =	sst s2  }
0xb: {  	[smem:$0x3FA7] =	sst s3  }
0xc: {  	[smem:$0x3FA8] =	sst s4  }
0xd: {  	[smem:$0x3FA9] =	sst s5  }
0xe: {  	[smem:$0x3FAA] =	sst s6  }
0xf: {  	[smem:$0x3FAB] =	sst s7  }
0x10: {  	[smem:$0x3FAC] =	sst s8  }
0x11: {  	[smem:$0x3FAD] =	sst s9;
	s0 =	simm.s32 @!p0 $0x0  }
0x12: {  	s1 =	sld [smem:$0x3F93];
	s0 =	simm.s32 @p0 $0x1  }
0x13: {  	[smem:$0x3FAE] =	sst s0;
	s0 =	simm.s32 @!p1 $0x0  }
0x14: {  	s2 =	sld [smem:$0x3F92];
	s0 =	simm.s32 @p1 $0x1  }
0x15: {  	[smem:$0x3FAF] =	sst s0;
	s0 =	simm.s32 @!p2 $0x0  }
0x16: {  	s3 =	sld [smem:$0x3FDB];
	s0 =	simm.s32 @p2 $0x1  }
0x17: {  	s4 =	simm.s32 $0x1BF5;
	[smem:$0x3FB1] =	sst s0  }
0x18: {  	s0 =	sld [smem:$0x3F94];
	_ =	swait.ge [sflag:s4], $0x0  }
0x19: {  	s7 =	sld [smem:$0x3F95]  }
0x1a: {  	s8 =	sadd.s32 $0xFFFFE003, lr  }
0x1b: {  	s9 =	sadd.s32 $0xFFFFFEF7, lr;
	s5 =	simm.s32 $0xFFFFFFFF;
	p2 =	slt.u32 s8, $0xFFFFF086  }
0x1c: {  	p1 =	slt.u32 s9, $0xF7A;
	s5 =	simm.s32 @!p2 $0x0  }
0x1d: {  	s5 =	simm.s32 @p1 $0x1;
	p0 =	seq.s32 s7, s2  }
0x1e: {  	s7 =	smul.u32 @!p0 $0xF7A, s2;
	p2 =	seq.s32 @!p0 s5, $0x0  }
0x1f: {  	s9 =	smul.u32 $0xF7A, s1;
	s8 =	simm.s32 @!p0 $0x1BF5;
	p2 =	por !p2, p0  }
0x20: {  	[sflag:s8] =	ssyncset.s32 @!p0 $0xFFFFF086;
	s6 =	sadd.s32 @!p0 s3, s7;
	s7 =	simm.s32 @!p0 $0x108  }
0x21: {  	s3 =	sadd.s32 s3, s9;
	s6 =	sadd.s32 @!p0 $0x88, s6;
	s7 =	simm.s32 @p2 $0x1082  }
0x22: {  	[simem:s7], [sflag:s8] =	dma.local @!p0 [hbm:s6], $0xF7A  }
0x23: {  	s9 =	sor.u32 $0xD0000000, s2;
	s6 =	simm.s32 $0x108;
	_ =	swait.ge @!p0 [sflag:s8], $0x0  }
0x24: {  	s3 =	sadd.s32 $0x88, s3;
	s6 =	simm.s32 @!p1 $0x1082;
	[sflag:s4] =	ssyncset.s32 $0xFFFFF086  }
0x25: {  	[simem:s6], [sflag:s4] =	dma.local [hbm:s3], $0xF7A  }
0x26: {  	[smem:$0x3F95] =	sst s1;
	(tag) =	ssettag s2;
	_ =	strace s9  }
0x27: {  	s1 =	sld [smem:$0x3FA5]  }
0x28: {  	s2 =	sld [smem:$0x3FA6]  }
0x29: {  	s4 =	sld [smem:$0x3FA8]  }
0x2a: {  	p0 =	seq.s32 s5, $0x0;
	s5 =	sld [smem:$0x3FA9]  }
0x2b: {  	s6 =	sld [smem:$0x3FAA]  }
0x2c: {  	s7 =	sld [smem:$0x3FAB]  }
0x2d: {  	s3 =	simm.s32 $0x108;
	s8 =	sld [smem:$0x3FAC]  }
0x2e: {  	s3 =	simm.s32 @!p0 $0x1082;
	s9 =	sld [smem:$0x3FAD]  }
0x2f: {  	lr =	sadd.s32 s0, s3;
	s0 =	sld [smem:$0x3FA4]  }
0x30: {  	s3 =	sld [smem:$0x3FA7]  }
0x31: {  	[smem:$0x3FB0] =	sst s10  }
0x32: {  	s10 =	sld [smem:$0x3FAE];
	_ =	sdelay $0x3  }
0x33: {  	p0 =	seq.s32 s10, $0x1;
	s10 =	sld [smem:$0x3FB0];
	_ =	sdelay $0x3  }
0x34: {  	[smem:$0x3FB0] =	sst s10  }
0x35: {  	s10 =	sld [smem:$0x3FAF];
	_ =	sdelay $0x3  }
0x36: {  	p1 =	seq.s32 s10, $0x1;
	s10 =	sld [smem:$0x3FB0];
	_ =	sdelay $0x3  }
0x37: {  	[smem:$0x3FB0] =	sst s10  }
0x38: {  	s10 =	sld [smem:$0x3FB1]  }
0x39: {  	_ = 	snop;
	(pc) =	sbr.ind lr, $3  }
0x3a: {  	_ = 	snop  }
0x3b: {  	_ = 	snop  }
0x3c: {  	p2 =	seq.s32 s10, $0x1;
	s10 =	sld [smem:$0x3FB0]  }
0x3d: {  	_ =	shalt  }
0x3e: {  	_ =	shalt  }
0x3f: {  	_ =	shalt  }
0x40: {  	_ =	shalt  }
0x41: {  	_ =	shalt  }
0x42: {  	_ =	shalt  }
0x43: {  	_ =	shalt  }
0x44: {  	_ =	shalt  }
0x45: {  	_ =	shalt  }
0x46: {  	_ =	shalt  }
0x47: {  	_ =	shalt  }
0x48: {  	_ =	shalt  }
0x49: {  	_ =	shalt  }
0x4a: {  	_ =	shalt  }
0x4b: {  	_ =	shalt  }
0x4c: {  	_ =	shalt  }
0x4d: {  	_ =	shalt  }
0x4e: {  	_ =	shalt  }
0x4f: {  	_ =	shalt  }
0x50: {  	_ =	shalt  }
0x51: {  	_ =	shalt  }
0x52: {  	_ =	shalt  }
0x53: {  	_ =	shalt  }
0x54: {  	_ =	shalt  }
0x55: {  	_ =	shalt  }
0x56: {  	_ =	shalt  }
0x57: {  	_ =	shalt  }
0x58: {  	_ =	shalt  }
0x59: {  	_ =	shalt  }
0x5a: {  	_ =	shalt  }
0x5b: {  	_ =	shalt  }
0x5c: {  	_ =	shalt  }
0x5d: {  	_ =	shalt  }
0x5e: {  	_ =	shalt  }
0x5f: {  	_ =	shalt  }
0x60: {  	_ =	shalt  }
0x61: {  	_ =	shalt  }
0x62: {  	_ =	shalt  }
0x63: {  	_ =	shalt  }
0x64: {  	_ =	shalt  }
0x65: {  	_ =	shalt  }
0x66: {  	_ =	shalt  }
0x67: {  	_ =	shalt  }
0x68: {  	_ =	shalt  }
0x69: {  	_ =	shalt  }
0x6a: {  	_ =	shalt  }
0x6b: {  	_ =	shalt  }
0x6c: {  	_ =	shalt  }
0x6d: {  	_ =	shalt  }
0x6e: {  	_ =	shalt  }
0x6f: {  	_ =	shalt  }
0x70: {  	_ =	shalt  }
0x71: {  	_ =	shalt  }
0x72: {  	_ =	shalt  }
0x73: {  	_ =	shalt  }
0x74: {  	_ =	shalt  }
0x75: {  	_ =	shalt  }
0x76: {  	_ =	shalt  }
0x77: {  	_ =	shalt  }
0x78: {  	_ =	shalt  }
0x79: {  	_ =	shalt  }
0x7a: {  	_ =	shalt  }
0x7b: {  	_ =	shalt  }
0x7c: {  	_ =	shalt  }
0x7d: {  	_ =	shalt  }
0x7e: {  	_ =	shalt  }
0x7f: {  	_ =	shalt  }
0x80: {  	_ =	shalt  }
0x81: {  	_ =	shalt  }
0x82: {  	_ =	shalt  }
0x83: {  	_ =	shalt  }
0x84: {  	_ =	shalt  }
0x85: {  	_ =	shalt  }
0x86: {  	_ =	shalt  }
0x87: {  	_ =	shalt  }
.Lfunc_end0:
.L_simem_size_0:
called_computation.1_lowered:
.L_overlay_start_0:
0x88: {  	s2 =	sld [smem:$0x3FD9]  }
0x89: {  	s3 =	sld [smem:$0x3FFE];
	_ =	sdelay $0x1  }
0x8a: {  	s1 =	srdreg.scid  }
0x8b: {  	s0 =	sand.u32 $0x1, s1  }
0x8c: {  	s16 =	sshll.u32 s0, $0xA;
	s2 =	sadd.s32 s3, s2  }
0x8d: {  	s2 =	sadd.s32 s2, s16  }
0x8e: {  	[smem:$0x3FBC] =	sst s2  }
0x8f: {  	_ = 	snop  }
0x90: {  	(tm) =	ssettm $0x1  }
0x91: {  	s17 =	sld [smem:$0x3FFB];
	_ =	sdelay $0x3  }
0x92: {  	_ =	strace s17  }
0x93: {  	s2 =	sld [smem:$0x3FFC];
	_ =	sdelay $0x3  }
0x94: {  	_ =	strace s2  }
0x95: {  	s2 =	sld [smem:$0x3FFD];
	_ =	sdelay $0x3  }
0x96: {  	_ =	strace s2  }
0x97: {  	_ =	strace $0x8FFFFFFF  }
0x98: {  	s18 =	sld [smem:$0x3FDB];
	_ =	sdelay $0x1  }
0x99: {  	s19 =	simm.s32 $_scs_section_size  }
0x9a: {  	s4 =	simm.s32 $_size__tile_overlayer_lowered;
	s5 =	simm.s32 $_tile_overlayer_lowered  }
0x9b: {  	s22 =	simm.s32 $0x1BFF;
	s21 =	sshll.u32 s5, $0x1;
	s2 =	sadd.s32 s19, s18  }
0x9c: {  	s6 =	simm.s32 $0x0;
	s20 =	sshll.u32 s4, $0x1;
	s4 =	sadd.s32 s21, s2  }
0x9d: {  	[timem:s6], [sflag:s22] =	dma.local [hbm:s4], s20  }
0x9e: {  	_ =	swait.ge [sflag:s22], s20  }
0x9f: {  	s3 =	ssub.s32 $0x0, s20;
	[sflag:s22] =	ssyncset.done $0x0  }
0xa0: {  	[sflag:s22] =	ssyncadd.s32 s3;
	_ =	sdelay $0x1  }
0xa1: {  	s23 =	simm.s32 $0x1B8B  }
0xa2: {  	_ =	swait.ge [sflag:s23], $0x1  }
0xa3: {  	[sflag:s23] =	ssyncset.done $0x0  }
0xa4: {  	s25 =	simm.s32 $0x1B8E;
	s24 =	sld [smem:$0x3FFE];
	[sflag:s23] =	ssyncadd.s32 $0xFFFFFFFF  }
0xa5: {  	s26 =	simm.s32 $execute0_lowered;
	[smem:$0x3FD2] =	sst s25  }
0xa6: {  	s4 =	sshll.u32 s26, $0x1;
	_ =	strace $0x80000049;
	[dreg:$0x1] =	wrdreg $0xFFFFFFFF  }
0xa7: {  	s28 =	simm.s32 $_size_execute0_lowered;
	s2 =	sadd.s32 s2, s4;
	[dreg:$0x0] =	wrdreg $0x0  }
0xa8: {  	s4 =	sshll.u32 s28, $0x1;
	[dreg:$0x2] =	wrdreg s2  }
0xa9: {  	[dreg:$0x3] =	wrdreg s4  }
0xaa: {  	[dreg:$0x4] =	wrdreg $0xC0  }
0xab: {  	_ =	task [dreg:s6], $0x5FFFF  }
0xac: {  	[dreg:$0x1] =	wrdreg $0xFFFFFFFF  }
0xad: {  	[dreg:$0x0] =	wrdreg $0x60  }
0xae: {  	[dreg:$0x2] =	wrdreg s24  }
0xaf: {  	[dreg:$0x3] =	wrdreg $0x9  }
0xb0: {  	_ =	task.clear_ibuf [dreg:s6], $0x4FFFF;
	_ =	strace $0x90000049  }
0xb1: {  	s29 =	simm.s32 $0x9;
	_ =	strace $0x8000004B  }
0xb2: {  	_ =	swait.ge [sflag:s29], $0x1  }
0xb3: {  	[sflag:s29] =	ssyncadd.s32 $0xFFFFFFFF  }
0xb4: {  	_ =	strace $0x9000004B  }
0xb5: {  	_ =	sfence  }
0xb6: {  	s30 =	sld [smem:$0x0];
	_ =	sdelay $0x2  }
0xb7: {  	s31 =	sshll.u32 s1, $0xD;
	s1 =	sshrl.u32 s1, $0x2  }
0xb8: {  	s3 =	sand.u32 $0x4000, s31;
	s1 =	sadd.s32 s1, s30  }
0xb9: {  	s0 =	sor.u32 s3, s0;
	s1 =	sshll.u32 s1, $0x11  }
0xba: {  	s0 =	sor.u32 s1, s0  }
0xbb: {  	s0 =	sadd.s32 $0x8F2B, s0  }
0xbc: {  	[sflag:s0] =	ssyncadd.remote.s32 $0x1  }
0xbd: {  	_ =	sfence.sel $0xFFFF  }
0xbe: {  	[dreg:$0x0] =	wrdreg $0xFFFFFFFF;
	(pc) =	sbr.abs _section_cstart, $3  }
0xbf: {  	[dreg:$0x1] =	wrdreg $0xFFFFFFFF  }
0xc0: {  	_ =	task.clear_ibuf [dreg:s6], $0x2FFFF;
	_ =	strace $0x9FFFFFFF  }
0xc1: {  	(tm) =	ssettm $0x7FFFFFFF  }
tec
execute0_lowered:
.L_overlay_start_1:
0x0: {  	(tag) =	ssettag $0x1  }
0x1: {  	s1 =	srdreg.scid  }
0x2: {  	s0 =	stileid.u32;
	s4 =	rddreg [dreg:$0x0];
	s17 =	simm.s32 $0x80  }
0x3: {  	s18 =	simm.s32 $0x900;
	s20 =	simm.s32 $0x1100;
	s21 =	simm.s32 $0x1900  }
0x4: {  	s22 =	simm.s32 $0x2100;
	s23 =	simm.s32 $0x2900;
	s1 =	sand.u32 $0x1, s1  }
0x5: {  	s24 =	simm.s32 $0x3100;
	s2 =	sshll.u32 s0, $0x7;
	s3 =	sshll.u32 s1, $0x6  }
0x6: {  	s7 =	simm.s32 $0x2;
	s3 =	sor.u32 s3, s2;
	s2 =	simm.s32 $0x0  }
0x7: {  	s25 =	simm.s32 $0x3900;
	s8 =	simm.s32 $0x100;
	[smem:$0x7FF] =	sst s2  }
0x8: {  	s26 =	simm.s32 $0x4100;
	_ =	strace $0x8000004A;
	[dreg:$0x6] =	wrdreg s17  }
0x9: {  	s11 =	simm.s32 $0x5900;
	s12 =	simm.s32 $0x6100;
	[dreg:$0x7] =	wrdreg s18  }
0xa: {  	s13 =	simm.s32 $0x6900;
	s14 =	simm.s32 $0x7100;
	[dreg:$0x8] =	wrdreg s20  }
0xb: {  	s28 =	simm.s32 $0xD900;
	s29 =	simm.s32 $0xE100;
	[dreg:$0x9] =	wrdreg s21  }
0xc: {  	s30 =	simm.s32 $0xE900;
	s1 =	ssub.s32 $0x2, s1;
	[dreg:$0xa] =	wrdreg s22  }
0xd: {  	s31 =	simm.s32 $0xF100;
	s19 =	sshrl.u32 s1, $0x1;
	[dreg:$0xb] =	wrdreg s23  }
0xe: {  	s5 =	sshrl.u32 s3, $0x3;
	s3 =	sshll.u32 s3, $0x6;
	[dreg:$0xc] =	wrdreg s24  }
0xf: {  	s1 =	ssub.s32 s1, s19;
	s19 =	simm.s32 $0x9900;
	[dreg:$0xd] =	wrdreg s25  }
0x10: {  	s5 =	sadd.s32 s5, s4;
	s3 =	sadd.s32 s3, s4;
	[dreg:$0xe] =	wrdreg s26  }
0x11: {  	s17 =	simm.s32 $0x8900;
	s18 =	simm.s32 $0x9100;
	s20 =	simm.s32 $0xA100  }
0x12: {  	s21 =	simm.s32 $0xA900;
	s22 =	simm.s32 $0xB100;
	s23 =	simm.s32 $0xB900  }
0x13: {  	s24 =	simm.s32 $0xC100;
	s25 =	simm.s32 $0xC900;
	s6 =	sadd.s32 $0x2A400, s5  }
0x14: {  	s26 =	simm.s32 $0xD100;
	s5 =	sadd.s32 $0x2A200, s5;
	[dreg:$0x2] =	wrdreg s6  }
0x15: {  	s15 =	sadd.s32 $0x1E00, s3;
	s16 =	sadd.s32 $0x2A600, s3;
	[dreg:$0x3] =	wrdreg s5  }
0x16: {  	v2 =	vlaneseq.u32;
	s3 =	sadd.s32 $0x14A600, s4;
	s4 =	sadd.s32 $0x14A700, s4;
	[dreg:$0x4] =	wrdreg s15  }
0x17: {  	vm0 =	vmmov $0xffff;
	v1 =	vshrl.u32 v2, $0x3;
	[dreg:$0x5] =	wrdreg s16;
	s5 =	smax.u32 s1, $0x1;
	s6 =	simm.s32 $0x1  }
0x18: {  	v0 =	vand.u32 $0x7, v2;
	v2 =	vor.u32 $0x8, v2;
	v1 =	vmul.u32 $0x8, v1;
	s15 =	simm.s32 $0x7900;
	s16 =	simm.s32 $0x8100;
	s1 =	simm.s32 $0xF900  }
.LBB2_1:
0x19: {  	s0 =	rddreg [dreg:$0x2]  }
0x1a: {  	s9 =	rddreg [dreg:$0x3]  }
0x1b: {  	[tilespmem:s2], [sflag:$0x1] =	stream.linear.gather [hbm4b:s0+s2], $0x40, $0x38;
	[tilespmem:$0x10100] =	vst v63  }
0x1c: {  	s10 =	rddreg [dreg:$0x6]  }
0x1d: {  	[tilespmem:s10], [sflag:$0x2] =	stream.linear.gather [hbm4b:s9+s2], $0x40, $0x38;
	[tilespmem:$0x10100] =	vst v63  }
0x1e: {  	_ =	swait.ge [sflag:s6], $0x40  }
0x1f: {  	[sflag:s6] =	ssyncset.done $0x0  }
0x20: {  	[sflag:s6] =	ssyncadd.s32 $0xFFFFFFC0  }
0x21: {  	_ =	swait.ge [sflag:s7], $0x40  }
0x22: {  	[sflag:s7] =	ssyncset.done $0x0  }
0x23: {  	[sflag:s7] =	ssyncadd.s32 $0xFFFFFFC0  }
0x24: {  	v3 =	vld [tilespmem:$0x0];
	_ =	sdelay $0x4  }
0x25: {  	v4 =	vshll.u32 v3, $0x2  }
0x26: {  	v3 =	vand.u32 $0x7, v3;
	v4 =	vand.u32 $0xFFFFFFE0, v4  }
0x27: {  	v3 =	vor.u32 v3, v4  }
0x28: {  	v4 =	vperm.xlane v3, v0;
	_ =	sdelay $0x1  }
0x29: {  	v4 =	vadd.s32 v1, v4;
	_ =	sdelay $0x1  }
0x2a: {  	v3 =	vperm.xlane v3, v2;
	_ =	sdelay $0x1  }
0x2b: {  	v3 =	vadd.s32 v1, v3  }
0x2c: {  	[tilespmem:s8], [sflag:$0x1] =	stream.indirect_vreg.gather [hbm4b:s3+s2], $0x80, v4, vm0, $0xb8;
	[tilespmem:$0x10100] =	vst v63  }
0x2d: {  	s10 =	rddreg [dreg:$0x7]  }
0x2e: {  	[tilespmem:s10], [sflag:$0x1] =	stream.indirect_vreg.gather [hbm4b:s4+s2], $0x80, v4, vm0, $0xb8;
	[tilespmem:$0x10100] =	vst v63  }
0x2f: {  	s9 =	rddreg [dreg:$0x8]  }
0x30: {  	[tilespmem:s9], [sflag:$0x1] =	stream.indirect_vreg.gather [hbm4b:s3+s2], $0x80, v3, vm0, $0xb8;
	[tilespmem:$0x10100] =	vst v63  }
0x31: {  	s10 =	rddreg [dreg:$0x9]  }
0x32: {  	[tilespmem:s10], [sflag:$0x1] =	stream.indirect_vreg.gather [hbm4b:s4+s2], $0x80, v3, vm0, $0xb8;
	[tilespmem:$0x10100] =	vst v63  }
0x33: {  	v3 =	vld [tilespmem:$0x10];
	_ =	sdelay $0x4  }
0x34: {  	v57 =	vshll.u32 v3, $0x2  }
0x35: {  	v3 =	vand.u32 $0x7, v3;
	v4 =	vand.u32 $0xFFFFFFE0, v57  }
0x36: {  	v3 =	vor.u32 v3, v4  }
0x37: {  	v4 =	vperm.xlane v3, v0;
	_ =	sdelay $0x1  }
0x38: {  	v4 =	vadd.s32 v1, v4;
	_ =	sdelay $0x1  }
0x39: {  	v3 =	vperm.xlane v3, v2;
	_ =	sdelay $0x1  }
0x3a: {  	s9 =	rddreg [dreg:$0xa];
	v3 =	vadd.s32 v1, v3  }
0x3b: {  	[tilespmem:s9], [sflag:$0x1] =	stream.indirect_vreg.gather [hbm4b:s3+s2], $0x80, v4, vm0, $0xb8;
	[tilespmem:$0x10100] =	vst v63  }
0x3c: {  	s10 =	rddreg [dreg:$0xb]  }
0x3d: {  	[tilespmem:s10], [sflag:$0x1] =	stream.indirect_vreg.gather [hbm4b:s4+s2], $0x80, v4, vm0, $0xb8;
	[tilespmem:$0x10100] =	vst v63  }
0x3e: {  	s0 =	rddreg [dreg:$0xc]  }
0x3f: {  	[tilespmem:s0], [sflag:$0x1] =	stream.indirect_vreg.gather [hbm4b:s3+s2], $0x80, v3, vm0, $0xb8;
	[tilespmem:$0x10100] =	vst v63  }
0x40: {  	s10 =	rddreg [dreg:$0xd]  }
0x41: {  	[tilespmem:s10], [sflag:$0x1] =	stream.indirect_vreg.gather [hbm4b:s4+s2], $0x80, v3, vm0, $0xb8;
	[tilespmem:$0x10100] =	vst v63  }
0x42: {  	v3 =	vld [tilespmem:$0x20];
	_ =	sdelay $0x4  }
0x43: {  	v58 =	vshll.u32 v3, $0x2  }
0x44: {  	v3 =	vand.u32 $0x7, v3;
	v4 =	vand.u32 $0xFFFFFFE0, v58  }
0x45: {  	v3 =	vor.u32 v3, v4  }
0x46: {  	v4 =	vperm.xlane v3, v0;
	_ =	sdelay $0x1  }
0x47: {  	v4 =	vadd.s32 v1, v4;
	_ =	sdelay $0x1  }
0x48: {  	v3 =	vperm.xlane v3, v2;
	_ =	sdelay $0x1  }
0x49: {  	s10 =	rddreg [dreg:$0xe];
	v3 =	vadd.s32 v1, v3  }
0x4a: {  	[tilespmem:s10], [sflag:$0x1] =	stream.indirect_vreg.gather [hbm4b:s3+s2], $0x80, v4, vm0, $0xb8;
	[tilespmem:$0x10100] =	vst v63  }
0x4b: {  	s9 =	simm.s32 $0x4900  }
0x4c: {  	[tilespmem:s9], [sflag:$0x1] =	stream.indirect_vreg.gather [hbm4b:s4+s2], $0x80, v4, vm0, $0xb8;
	[tilespmem:$0x10100] =	vst v63  }
0x4d: {  	s10 =	simm.s32 $0x5100  }
0x4e: {  	[tilespmem:s10], [sflag:$0x1] =	stream.indirect_vreg.gather [hbm4b:s3+s2], $0x80, v3, vm0, $0xb8;
	[tilespmem:$0x10100] =	vst v63  }
0x4f: {  	_ = 	snop  }
0x50: {  	[tilespmem:s11], [sflag:$0x1] =	stream.indirect_vreg.gather [hbm4b:s4+s2], $0x80, v3, vm0, $0xb8;
	[tilespmem:$0x10100] =	vst v63  }
0x51: {  	v3 =	vld [tilespmem:$0x30];
	_ =	sdelay $0x4  }
0x52: {  	v59 =	vshll.u32 v3, $0x2  }
0x53: {  	v3 =	vand.u32 $0x7, v3;
	v4 =	vand.u32 $0xFFFFFFE0, v59  }
0x54: {  	v3 =	vor.u32 v3, v4  }
0x55: {  	v4 =	vperm.xlane v3, v0;
	_ =	sdelay $0x1  }
0x56: {  	v4 =	vadd.s32 v1, v4;
	_ =	sdelay $0x1  }
0x57: {  	v3 =	vperm.xlane v3, v2;
	_ =	sdelay $0x1  }
0x58: {  	v3 =	vadd.s32 v1, v3  }
0x59: {  	[tilespmem:s12], [sflag:$0x1] =	stream.indirect_vreg.gather [hbm4b:s3+s2], $0x80, v4, vm0, $0xb8;
	[tilespmem:$0x10100] =	vst v63  }
0x5a: {  	_ = 	snop  }
0x5b: {  	[tilespmem:s13], [sflag:$0x1] =	stream.indirect_vreg.gather [hbm4b:s4+s2], $0x80, v4, vm0, $0xb8;
	[tilespmem:$0x10100] =	vst v63  }
0x5c: {  	_ = 	snop  }
0x5d: {  	[tilespmem:s14], [sflag:$0x1] =	stream.indirect_vreg.gather [hbm4b:s3+s2], $0x80, v3, vm0, $0xb8;
	[tilespmem:$0x10100] =	vst v63  }
0x5e: {  	_ = 	snop  }
0x5f: {  	[tilespmem:s15], [sflag:$0x1] =	stream.indirect_vreg.gather [hbm4b:s4+s2], $0x80, v3, vm0, $0xb8;
	[tilespmem:$0x10100] =	vst v63  }
0x60: {  	v3 =	vld [tilespmem:$0x80];
	_ =	sdelay $0x4  }
0x61: {  	v60 =	vshll.u32 v3, $0x2  }
0x62: {  	v3 =	vand.u32 $0x7, v3;
	v4 =	vand.u32 $0xFFFFFFE0, v60  }
0x63: {  	v3 =	vor.u32 v3, v4  }
0x64: {  	v4 =	vperm.xlane v3, v0;
	_ =	sdelay $0x1  }
0x65: {  	v4 =	vadd.s32 v1, v4;
	_ =	sdelay $0x1  }
0x66: {  	v3 =	vperm.xlane v3, v2;
	_ =	sdelay $0x1  }
0x67: {  	v3 =	vadd.s32 v1, v3  }
0x68: {  	[tilespmem:s16], [sflag:$0x2] =	stream.indirect_vreg.gather [hbm4b:s3+s2], $0x80, v4, vm0, $0xb8;
	[tilespmem:$0x10100] =	vst v63  }
0x69: {  	_ = 	snop  }
0x6a: {  	[tilespmem:s17], [sflag:$0x2] =	stream.indirect_vreg.gather [hbm4b:s4+s2], $0x80, v4, vm0, $0xb8;
	[tilespmem:$0x10100] =	vst v63  }
0x6b: {  	_ = 	snop  }
0x6c: {  	[tilespmem:s18], [sflag:$0x2] =	stream.indirect_vreg.gather [hbm4b:s3+s2], $0x80, v3, vm0, $0xb8;
	[tilespmem:$0x10100] =	vst v63  }
0x6d: {  	_ = 	snop  }
0x6e: {  	[tilespmem:s19], [sflag:$0x2] =	stream.indirect_vreg.gather [hbm4b:s4+s2], $0x80, v3, vm0, $0xb8;
	[tilespmem:$0x10100] =	vst v63  }
0x6f: {  	v3 =	vld [tilespmem:$0x90];
	_ =	sdelay $0x4  }
0x70: {  	v61 =	vshll.u32 v3, $0x2  }
0x71: {  	v3 =	vand.u32 $0x7, v3;
	v4 =	vand.u32 $0xFFFFFFE0, v61  }
0x72: {  	v3 =	vor.u32 v3, v4  }
0x73: {  	v4 =	vperm.xlane v3, v0;
	_ =	sdelay $0x1  }
0x74: {  	v4 =	vadd.s32 v1, v4;
	_ =	sdelay $0x1  }
0x75: {  	v3 =	vperm.xlane v3, v2;
	_ =	sdelay $0x1  }
0x76: {  	v3 =	vadd.s32 v1, v3  }
0x77: {  	[tilespmem:s20], [sflag:$0x2] =	stream.indirect_vreg.gather [hbm4b:s3+s2], $0x80, v4, vm0, $0xb8;
	[tilespmem:$0x10100] =	vst v63  }
0x78: {  	_ = 	snop  }
0x79: {  	[tilespmem:s21], [sflag:$0x2] =	stream.indirect_vreg.gather [hbm4b:s4+s2], $0x80, v4, vm0, $0xb8;
	[tilespmem:$0x10100] =	vst v63  }
0x7a: {  	_ = 	snop  }
0x7b: {  	[tilespmem:s22], [sflag:$0x2] =	stream.indirect_vreg.gather [hbm4b:s3+s2], $0x80, v3, vm0, $0xb8;
	[tilespmem:$0x10100] =	vst v63  }
0x7c: {  	_ = 	snop  }
0x7d: {  	[tilespmem:s23], [sflag:$0x2] =	stream.indirect_vreg.gather [hbm4b:s4+s2], $0x80, v3, vm0, $0xb8;
	[tilespmem:$0x10100] =	vst v63  }
0x7e: {  	v3 =	vld [tilespmem:$0xA0];
	_ =	sdelay $0x4  }
0x7f: {  	v62 =	vshll.u32 v3, $0x2  }
0x80: {  	v3 =	vand.u32 $0x7, v3;
	v4 =	vand.u32 $0xFFFFFFE0, v62  }
0x81: {  	v3 =	vor.u32 v3, v4  }
0x82: {  	v4 =	vperm.xlane v3, v0;
	_ =	sdelay $0x1  }
0x83: {  	v4 =	vadd.s32 v1, v4;
	_ =	sdelay $0x1  }
0x84: {  	v3 =	vperm.xlane v3, v2;
	_ =	sdelay $0x1  }
0x85: {  	v3 =	vadd.s32 v1, v3  }
0x86: {  	[tilespmem:s24], [sflag:$0x2] =	stream.indirect_vreg.gather [hbm4b:s3+s2], $0x80, v4, vm0, $0xb8;
	[tilespmem:$0x10100] =	vst v63  }
0x87: {  	_ = 	snop  }
0x88: {  	[tilespmem:s25], [sflag:$0x2] =	stream.indirect_vreg.gather [hbm4b:s4+s2], $0x80, v4, vm0, $0xb8;
	[tilespmem:$0x10100] =	vst v63  }
0x89: {  	_ = 	snop  }
0x8a: {  	[tilespmem:s26], [sflag:$0x2] =	stream.indirect_vreg.gather [hbm4b:s3+s2], $0x80, v3, vm0, $0xb8;
	[tilespmem:$0x10100] =	vst v63  }
0x8b: {  	_ = 	snop  }
0x8c: {  	[tilespmem:s28], [sflag:$0x2] =	stream.indirect_vreg.gather [hbm4b:s4+s2], $0x80, v3, vm0, $0xb8;
	[tilespmem:$0x10100] =	vst v63  }
0x8d: {  	v3 =	vld [tilespmem:$0xB0];
	_ =	sdelay $0x4  }
0x8e: {  	v63 =	vshll.u32 v3, $0x2  }
0x8f: {  	v3 =	vand.u32 $0x7, v3;
	v4 =	vand.u32 $0xFFFFFFE0, v63  }
0x90: {  	v3 =	vor.u32 v3, v4  }
0x91: {  	v4 =	vperm.xlane v3, v0;
	_ =	sdelay $0x1  }
0x92: {  	v4 =	vadd.s32 v1, v4;
	_ =	sdelay $0x1  }
0x93: {  	v3 =	vperm.xlane v3, v2;
	_ =	sdelay $0x1  }
0x94: {  	v3 =	vadd.s32 v1, v3  }
0x95: {  	[tilespmem:s29], [sflag:$0x2] =	stream.indirect_vreg.gather [hbm4b:s3+s2], $0x80, v4, vm0, $0xb8;
	[tilespmem:$0x10100] =	vst v63  }
0x96: {  	_ = 	snop  }
0x97: {  	[tilespmem:s30], [sflag:$0x2] =	stream.indirect_vreg.gather [hbm4b:s4+s2], $0x80, v4, vm0, $0xb8;
	[tilespmem:$0x10100] =	vst v63  }
0x98: {  	_ = 	snop  }
0x99: {  	[tilespmem:s31], [sflag:$0x2] =	stream.indirect_vreg.gather [hbm4b:s3+s2], $0x80, v3, vm0, $0xb8;
	[tilespmem:$0x10100] =	vst v63  }
0x9a: {  	_ = 	snop  }
0x9b: {  	[tilespmem:s1], [sflag:$0x2] =	stream.indirect_vreg.gather [hbm4b:s4+s2], $0x80, v3, vm0, $0xb8;
	[tilespmem:$0x10100] =	vst v63  }
0x9c: {  	_ =	swait.ge [sflag:s6], $0x8000  }
0x9d: {  	[sflag:s6] =	ssyncset.done $0x0  }
0x9e: {  	[sflag:s6] =	ssyncadd.s32 $0xFFFF8000  }
0x9f: {  	_ =	swait.ge [sflag:s7], $0x8000  }
0xa0: {  	[sflag:s7] =	ssyncset.done $0x0  }
0xa1: {  	s9 =	rddreg [dreg:$0x4];
	[sflag:s7] =	ssyncadd.s32 $0xFFFF8000  }
0xa2: {  	[hbm4b:s9+s2] =	stream.linear.scatter [tilespmem:s8], [sflag:$0x1], $0x8000, $0x38;
	[tilespmem:$0x10100] =	vst v63  }
0xa3: {  	s10 =	rddreg [dreg:$0x5]  }
0xa4: {  	[hbm4b:s10+s2] =	stream.linear.scatter [tilespmem:s16], [sflag:$0x2], $0x8000, $0x38;
	[tilespmem:$0x10100] =	vst v63  }
0xa5: {  	p0 =	sne.s32 s5, $0x1;
	_ =	swait.ge [sflag:s6], $0x8000  }
.Ltmp0:
0xa6: {  	[sflag:s6] =	ssyncset.done $0x0;
	(pc) =	sbr.rel @p0 .LBB2_1-.Ltmp0, $4  }
0xa7: {  	[sflag:s6] =	ssyncadd.s32 $0xFFFF8000  }
0xa8: {  	_ =	swait.ge [sflag:s7], $0x8000  }
0xa9: {  	[sflag:s7] =	ssyncset.done $0x0  }
0xaa: {  	s5 =	sadd.s32 $0xFFFFFFFF, s5;
	[sflag:s7] =	ssyncadd.s32 $0xFFFF8000  }
0xab: {  	_ =	sfence.sel $0x180000  }
0xac: {  	[bflag:$0x0] =	sbarrier.arrive $0xFFFF  }
0xad: {  	_ =	strace $0x9000004A  }
0xae: {  	s0 =	stileid.u32;
	[bflag:$0x2] =	sbarrier.arrive $0xFFFF  }
0xaf: {  	p0 =	sne.s32 s0, $0x0;
	s0 =	rddreg [dreg:$0x1]  }
0xb0: {  	s0 =	sadd.s32 @!p0 $0x100000, s0  }
0xb1: {  	[sflag:s0] =	ssyncadd.tile.s32 @!p0 $0x1;
	_ =	shalt  }
.Lfunc_end2:
_tile_overlayer_lowered:
.L_overlay_start_2:
0xb2: {  	(tag) =	ssettag $0x2  }
0xb3: {  	s0 =	rddreg [dreg:$0x0];
	s2 =	stileid.u32  }
0xb4: {  	s1 =	rddreg [dreg:$0x1];
	p0 =	sne.s32 s2, $0x0  }
0xb5: {  	s3 =	rddreg [dreg:$0x2];
	[bflag:$0x3] =	sbarrier.arrive $0xFFFF;
	s2 =	simm.s32 @!p0 $0x1C03  }
0xb6: {  	[timem:s3], [sflag:s2] =	dma.local @!p0 [hbm:s0], s1  }
0xb7: {  	s0 =	simm.s32 @!p0 $0x3  }
0xb8: {  	_ =	swait.ge @!p0 [sflag:s0], s1  }
0xb9: {  	s1 =	ssub.s32 @!p0 $0x0, s1;
	[sflag:s0] =	ssyncset.done @!p0 $0x0  }
0xba: {  	[sflag:s0] =	ssyncadd.s32 @!p0 s1  }
0xbb: {  	[bflag:$0x3] =	sbarrier.arrive $0xFFFF  }
0xbc: {  	_ =	shalt  }

// kernel: kernel.9.cloned.1.call-start
scs
__scs_entry_jumppad:
0x0: {  	(pc) =	sbr.rel $0x88, $3  }
0x1: {  	(tag) =	ssettag $0x0;
	lr =	simm.s32 $0x1  }
0x2: {  	[smem:$0x3F95] =	sst lr;
	_ =	strace $0xD0000000  }
0x3: {  	_ = 	snop  }
0x4: {  	_ = 	snop  }
0x5: {  	_ = 	snop  }
0x6: {  	_ = 	snop  }
0x7: {  	_ = 	snop  }
__scs_overlays_trampoline_lowered:
0x8: {  	[smem:$0x3FA4] =	sst s0  }
0x9: {  	[smem:$0x3FA5] =	sst s1  }
0xa: {  	[smem:$0x3FA6] =	sst s2  }
0xb: {  	[smem:$0x3FA7] =	sst s3  }
0xc: {  	[smem:$0x3FA8] =	sst s4  }
0xd: {  	[smem:$0x3FA9] =	sst s5  }
0xe: {  	[smem:$0x3FAA] =	sst s6  }
0xf: {  	[smem:$0x3FAB] =	sst s7  }
0x10: {  	[smem:$0x3FAC] =	sst s8  }
0x11: {  	[smem:$0x3FAD] =	sst s9;
	s0 =	simm.s32 @!p0 $0x0  }
0x12: {  	s1 =	sld [smem:$0x3F93];
	s0 =	simm.s32 @p0 $0x1  }
0x13: {  	[smem:$0x3FAE] =	sst s0;
	s0 =	simm.s32 @!p1 $0x0  }
0x14: {  	s2 =	sld [smem:$0x3F92];
	s0 =	simm.s32 @p1 $0x1  }
0x15: {  	[smem:$0x3FAF] =	sst s0;
	s0 =	simm.s32 @!p2 $0x0  }
0x16: {  	s3 =	sld [smem:$0x3FDB];
	s0 =	simm.s32 @p2 $0x1  }
0x17: {  	s4 =	simm.s32 $0x1BF5;
	[smem:$0x3FB1] =	sst s0  }
0x18: {  	s0 =	sld [smem:$0x3F94];
	_ =	swait.ge [sflag:s4], $0x0  }
0x19: {  	s7 =	sld [smem:$0x3F95]  }
0x1a: {  	s8 =	sadd.s32 $0xFFFFE003, lr  }
0x1b: {  	s9 =	sadd.s32 $0xFFFFFEF7, lr;
	s5 =	simm.s32 $0xFFFFFFFF;
	p2 =	slt.u32 s8, $0xFFFFF086  }
0x1c: {  	p1 =	slt.u32 s9, $0xF7A;
	s5 =	simm.s32 @!p2 $0x0  }
0x1d: {  	s5 =	simm.s32 @p1 $0x1;
	p0 =	seq.s32 s7, s2  }
0x1e: {  	s7 =	smul.u32 @!p0 $0xF7A, s2;
	p2 =	seq.s32 @!p0 s5, $0x0  }
0x1f: {  	s9 =	smul.u32 $0xF7A, s1;
	s8 =	simm.s32 @!p0 $0x1BF5;
	p2 =	por !p2, p0  }
0x20: {  	[sflag:s8] =	ssyncset.s32 @!p0 $0xFFFFF086;
	s6 =	sadd.s32 @!p0 s3, s7;
	s7 =	simm.s32 @!p0 $0x108  }
0x21: {  	s3 =	sadd.s32 s3, s9;
	s6 =	sadd.s32 @!p0 $0x88, s6;
	s7 =	simm.s32 @p2 $0x1082  }
0x22: {  	[simem:s7], [sflag:s8] =	dma.local @!p0 [hbm:s6], $0xF7A  }
0x23: {  	s9 =	sor.u32 $0xD0000000, s2;
	s6 =	simm.s32 $0x108;
	_ =	swait.ge @!p0 [sflag:s8], $0x0  }
0x24: {  	s3 =	sadd.s32 $0x88, s3;
	s6 =	simm.s32 @!p1 $0x1082;
	[sflag:s4] =	ssyncset.s32 $0xFFFFF086  }
0x25: {  	[simem:s6], [sflag:s4] =	dma.local [hbm:s3], $0xF7A  }
0x26: {  	[smem:$0x3F95] =	sst s1;
	(tag) =	ssettag s2;
	_ =	strace s9  }
0x27: {  	s1 =	sld [smem:$0x3FA5]  }
0x28: {  	s2 =	sld [smem:$0x3FA6]  }
0x29: {  	s4 =	sld [smem:$0x3FA8]  }
0x2a: {  	p0 =	seq.s32 s5, $0x0;
	s5 =	sld [smem:$0x3FA9]  }
0x2b: {  	s6 =	sld [smem:$0x3FAA]  }
0x2c: {  	s7 =	sld [smem:$0x3FAB]  }
0x2d: {  	s3 =	simm.s32 $0x108;
	s8 =	sld [smem:$0x3FAC]  }
0x2e: {  	s3 =	simm.s32 @!p0 $0x1082;
	s9 =	sld [smem:$0x3FAD]  }
0x2f: {  	lr =	sadd.s32 s0, s3;
	s0 =	sld [smem:$0x3FA4]  }
0x30: {  	s3 =	sld [smem:$0x3FA7]  }
0x31: {  	[smem:$0x3FB0] =	sst s10  }
0x32: {  	s10 =	sld [smem:$0x3FAE];
	_ =	sdelay $0x3  }
0x33: {  	p0 =	seq.s32 s10, $0x1;
	s10 =	sld [smem:$0x3FB0];
	_ =	sdelay $0x3  }
0x34: {  	[smem:$0x3FB0] =	sst s10  }
0x35: {  	s10 =	sld [smem:$0x3FAF];
	_ =	sdelay $0x3  }
0x36: {  	p1 =	seq.s32 s10, $0x1;
	s10 =	sld [smem:$0x3FB0];
	_ =	sdelay $0x3  }
0x37: {  	[smem:$0x3FB0] =	sst s10  }
0x38: {  	s10 =	sld [smem:$0x3FB1]  }
0x39: {  	_ = 	snop;
	(pc) =	sbr.ind lr, $3  }
0x3a: {  	_ = 	snop  }
0x3b: {  	_ = 	snop  }
0x3c: {  	p2 =	seq.s32 s10, $0x1;
	s10 =	sld [smem:$0x3FB0]  }
0x3d: {  	_ =	shalt  }
0x3e: {  	_ =	shalt  }
0x3f: {  	_ =	shalt  }
0x40: {  	_ =	shalt  }
0x41: {  	_ =	shalt  }
0x42: {  	_ =	shalt  }
0x43: {  	_ =	shalt  }
0x44: {  	_ =	shalt  }
0x45: {  	_ =	shalt  }
0x46: {  	_ =	shalt  }
0x47: {  	_ =	shalt  }
0x48: {  	_ =	shalt  }
0x49: {  	_ =	shalt  }
0x4a: {  	_ =	shalt  }
0x4b: {  	_ =	shalt  }
0x4c: {  	_ =	shalt  }
0x4d: {  	_ =	shalt  }
0x4e: {  	_ =	shalt  }
0x4f: {  	_ =	shalt  }
0x50: {  	_ =	shalt  }
0x51: {  	_ =	shalt  }
0x52: {  	_ =	shalt  }
0x53: {  	_ =	shalt  }
0x54: {  	_ =	shalt  }
0x55: {  	_ =	shalt  }
0x56: {  	_ =	shalt  }
0x57: {  	_ =	shalt  }
0x58: {  	_ =	shalt  }
0x59: {  	_ =	shalt  }
0x5a: {  	_ =	shalt  }
0x5b: {  	_ =	shalt  }
0x5c: {  	_ =	shalt  }
0x5d: {  	_ =	shalt  }
0x5e: {  	_ =	shalt  }
0x5f: {  	_ =	shalt  }
0x60: {  	_ =	shalt  }
0x61: {  	_ =	shalt  }
0x62: {  	_ =	shalt  }
0x63: {  	_ =	shalt  }
0x64: {  	_ =	shalt  }
0x65: {  	_ =	shalt  }
0x66: {  	_ =	shalt  }
0x67: {  	_ =	shalt  }
0x68: {  	_ =	shalt  }
0x69: {  	_ =	shalt  }
0x6a: {  	_ =	shalt  }
0x6b: {  	_ =	shalt  }
0x6c: {  	_ =	shalt  }
0x6d: {  	_ =	shalt  }
0x6e: {  	_ =	shalt  }
0x6f: {  	_ =	shalt  }
0x70: {  	_ =	shalt  }
0x71: {  	_ =	shalt  }
0x72: {  	_ =	shalt  }
0x73: {  	_ =	shalt  }
0x74: {  	_ =	shalt  }
0x75: {  	_ =	shalt  }
0x76: {  	_ =	shalt  }
0x77: {  	_ =	shalt  }
0x78: {  	_ =	shalt  }
0x79: {  	_ =	shalt  }
0x7a: {  	_ =	shalt  }
0x7b: {  	_ =	shalt  }
0x7c: {  	_ =	shalt  }
0x7d: {  	_ =	shalt  }
0x7e: {  	_ =	shalt  }
0x7f: {  	_ =	shalt  }
0x80: {  	_ =	shalt  }
0x81: {  	_ =	shalt  }
0x82: {  	_ =	shalt  }
0x83: {  	_ =	shalt  }
0x84: {  	_ =	shalt  }
0x85: {  	_ =	shalt  }
0x86: {  	_ =	shalt  }
0x87: {  	_ =	shalt  }
.Lfunc_end0:
.L_simem_size_0:
called_computation_lowered:
.L_overlay_start_0:
0x88: {  	s2 =	sld [smem:$0x3FD9]  }
0x89: {  	s3 =	sld [smem:$0x3FFE];
	_ =	sdelay $0x1  }
0x8a: {  	s1 =	srdreg.scid  }
0x8b: {  	s0 =	sand.u32 $0x1, s1  }
0x8c: {  	s16 =	sshll.u32 s0, $0xA;
	s2 =	sadd.s32 s3, s2  }
0x8d: {  	s2 =	sadd.s32 s2, s16  }
0x8e: {  	[smem:$0x3FBC] =	sst s2  }
0x8f: {  	_ = 	snop  }
0x90: {  	(tm) =	ssettm $0x1  }
0x91: {  	s17 =	sld [smem:$0x3FFB];
	_ =	sdelay $0x3  }
0x92: {  	_ =	strace s17  }
0x93: {  	s2 =	sld [smem:$0x3FFC];
	_ =	sdelay $0x3  }
0x94: {  	_ =	strace s2  }
0x95: {  	s2 =	sld [smem:$0x3FFD];
	_ =	sdelay $0x3  }
0x96: {  	_ =	strace s2  }
0x97: {  	_ =	strace $0x8FFFFFFF  }
0x98: {  	s18 =	sld [smem:$0x3FDB];
	_ =	sdelay $0x1  }
0x99: {  	s19 =	simm.s32 $_scs_section_size  }
0x9a: {  	s4 =	simm.s32 $_size__tile_overlayer_lowered;
	s5 =	simm.s32 $_tile_overlayer_lowered  }
0x9b: {  	s22 =	simm.s32 $0x1BFF;
	s21 =	sshll.u32 s5, $0x1;
	s2 =	sadd.s32 s19, s18  }
0x9c: {  	s6 =	simm.s32 $0x0;
	s20 =	sshll.u32 s4, $0x1;
	s4 =	sadd.s32 s21, s2  }
0x9d: {  	[timem:s6], [sflag:s22] =	dma.local [hbm:s4], s20  }
0x9e: {  	_ =	swait.ge [sflag:s22], s20  }
0x9f: {  	s3 =	ssub.s32 $0x0, s20;
	[sflag:s22] =	ssyncset.done $0x0  }
0xa0: {  	[sflag:s22] =	ssyncadd.s32 s3;
	_ =	sdelay $0x1  }
0xa1: {  	s23 =	simm.s32 $0x1B8B  }
0xa2: {  	_ =	swait.ge [sflag:s23], $0x1  }
0xa3: {  	[sflag:s23] =	ssyncset.done $0x0  }
0xa4: {  	s25 =	simm.s32 $0x1B8E;
	s24 =	sld [smem:$0x3FFE];
	[sflag:s23] =	ssyncadd.s32 $0xFFFFFFFF  }
0xa5: {  	s26 =	simm.s32 $execute0_lowered;
	[smem:$0x3FD2] =	sst s25  }
0xa6: {  	s4 =	sshll.u32 s26, $0x1;
	_ =	strace $0x80000046;
	[dreg:$0x1] =	wrdreg $0xFFFFFFFF  }
0xa7: {  	s28 =	simm.s32 $_size_execute0_lowered;
	s2 =	sadd.s32 s2, s4;
	[dreg:$0x0] =	wrdreg $0x0  }
0xa8: {  	s4 =	sshll.u32 s28, $0x1;
	[dreg:$0x2] =	wrdreg s2  }
0xa9: {  	[dreg:$0x3] =	wrdreg s4  }
0xaa: {  	[dreg:$0x4] =	wrdreg $0xC0  }
0xab: {  	_ =	task [dreg:s6], $0x5FFFF  }
0xac: {  	[dreg:$0x1] =	wrdreg $0xFFFFFFFF  }
0xad: {  	[dreg:$0x0] =	wrdreg $0x60  }
0xae: {  	[dreg:$0x2] =	wrdreg s24  }
0xaf: {  	[dreg:$0x3] =	wrdreg $0x9  }
0xb0: {  	_ =	task.clear_ibuf [dreg:s6], $0x4FFFF;
	_ =	strace $0x90000046  }
0xb1: {  	s29 =	simm.s32 $0x9;
	_ =	strace $0x80000048  }
0xb2: {  	_ =	swait.ge [sflag:s29], $0x1  }
0xb3: {  	[sflag:s29] =	ssyncadd.s32 $0xFFFFFFFF  }
0xb4: {  	_ =	strace $0x90000048  }
0xb5: {  	_ =	sfence  }
0xb6: {  	s30 =	sld [smem:$0x0];
	_ =	sdelay $0x2  }
0xb7: {  	s31 =	sshll.u32 s1, $0xD;
	s1 =	sshrl.u32 s1, $0x2  }
0xb8: {  	s3 =	sand.u32 $0x4000, s31;
	s1 =	sadd.s32 s1, s30  }
0xb9: {  	s0 =	sor.u32 s3, s0;
	s1 =	sshll.u32 s1, $0x11  }
0xba: {  	s0 =	sor.u32 s1, s0  }
0xbb: {  	s0 =	sadd.s32 $0x8F2B, s0  }
0xbc: {  	[sflag:s0] =	ssyncadd.remote.s32 $0x1  }
0xbd: {  	_ =	sfence.sel $0xFFFF  }
0xbe: {  	[dreg:$0x0] =	wrdreg $0xFFFFFFFF;
	(pc) =	sbr.abs _section_cstart, $3  }
0xbf: {  	[dreg:$0x1] =	wrdreg $0xFFFFFFFF  }
0xc0: {  	_ =	task.clear_ibuf [dreg:s6], $0x2FFFF;
	_ =	strace $0x9FFFFFFF  }
0xc1: {  	(tm) =	ssettm $0x7FFFFFFF  }
tec
execute0_lowered:
.L_overlay_start_1:
0x0: {  	(tag) =	ssettag $0x1  }
0x1: {  	s7 =	rddreg [dreg:$0x0]  }
0x2: {  	s0 =	rddreg [dreg:$0x1]  }
0x3: {  	s3 =	srdreg.scid;
	s2 =	simm.s32 $0x0;
	s1 =	stileid.u32  }
0x4: {  	s10 =	simm.s32 $0x100;
	s11 =	simm.s32 $0x1;
	s12 =	simm.s32 $0x2  }
0x5: {  	s13 =	simm.s32 $0x3;
	s14 =	simm.s32 $0x900;
	s15 =	simm.s32 $0x1100  }
0x6: {  	s16 =	simm.s32 $0x1900;
	s17 =	simm.s32 $0x2100;
	s18 =	simm.s32 $0x2900  }
0x7: {  	s19 =	simm.s32 $0x3100;
	s20 =	simm.s32 $0x3900;
	s21 =	simm.s32 $0x4100  }
0x8: {  	s22 =	simm.s32 $0x4900;
	s23 =	simm.s32 $0x5100;
	s24 =	simm.s32 $0x5900  }
0x9: {  	s25 =	simm.s32 $0x6100;
	s26 =	simm.s32 $0x6900;
	s28 =	simm.s32 $0x7100  }
0xa: {  	s29 =	simm.s32 $0x7900;
	s3 =	sand.u32 $0x1, s3;
	[smem:$0x7FF] =	sst s2  }
0xb: {  	s4 =	sshll.u32 s1, $0x7;
	s5 =	sshll.u32 s3, $0x6;
	_ =	strace $0x80000047  }
0xc: {  	s6 =	ssub.s32 $0x2, s3;
	s3 =	sadd.s32 $0x2A600, s7;
	s4 =	sor.u32 s5, s4  }
0xd: {  	s31 =	sshrl.u32 s6, $0x1;
	s5 =	sshll.u32 s4, $0x6;
	s4 =	sshrl.u32 s4, $0x3  }
0xe: {  	v2 =	vlaneseq.u32;
	s9 =	ssub.s32 s6, s31;
	s8 =	sadd.s32 s5, s7;
	s30 =	sadd.s32 s4, s7  }
0xf: {  	vm0 =	vmmov $0xffff;
	v1 =	vshrl.u32 v2, $0x3;
	s7 =	sadd.s32 $0x2A700, s7;
	s4 =	sadd.s32 $0x2A000, s30;
	s5 =	sadd.s32 $0x29E00, s30  }
0x10: {  	v0 =	vand.u32 $0x7, v2;
	v2 =	vor.u32 $0x8, v2;
	v1 =	vmul.u32 $0x8, v1;
	s6 =	sadd.s32 $0x1E00, s8;
	s8 =	smax.u32 s9, $0x1;
	s9 =	simm.s32 $0x80  }
.LBB2_1:
0x11: {  	[tilespmem:s2], [sflag:$0x1] =	stream.linear.gather [hbm4b:s4+s2], $0x40, $0x38;
	[tilespmem:$0x8100] =	vst v63  }
0x12: {  	_ = 	snop  }
0x13: {  	[tilespmem:s9], [sflag:$0x2] =	stream.linear.gather [hbm4b:s5+s2], $0x40, $0x38;
	[tilespmem:$0x8100] =	vst v63  }
0x14: {  	_ = 	snop  }
0x15: {  	[tilespmem:s10], [sflag:$0x3] =	stream.linear.gather [hbm4b:s6+s2], $0x8000, $0x38;
	[tilespmem:$0x8100] =	vst v63  }
0x16: {  	_ =	swait.ge [sflag:s11], $0x40  }
0x17: {  	[sflag:s11] =	ssyncset.done $0x0  }
0x18: {  	[sflag:s11] =	ssyncadd.s32 $0xFFFFFFC0  }
0x19: {  	_ =	swait.ge [sflag:s12], $0x40  }
0x1a: {  	[sflag:s12] =	ssyncset.done $0x0  }
0x1b: {  	[sflag:s12] =	ssyncadd.s32 $0xFFFFFFC0  }
0x1c: {  	_ =	swait.ge [sflag:s13], $0x8000  }
0x1d: {  	[sflag:s13] =	ssyncset.done $0x0  }
0x1e: {  	[sflag:s13] =	ssyncadd.s32 $0xFFFF8000  }
0x1f: {  	v3 =	vld [tilespmem:$0x0];
	_ =	sdelay $0x4  }
0x20: {  	v4 =	vshll.u32 v3, $0x2  }
0x21: {  	v3 =	vand.u32 $0x7, v3;
	v4 =	vand.u32 $0xFFFFFFE0, v4  }
0x22: {  	v3 =	vor.u32 v3, v4  }
0x23: {  	v4 =	vperm.xlane v3, v0;
	_ =	sdelay $0x1  }
0x24: {  	v4 =	vadd.s32 v1, v4;
	_ =	sdelay $0x1  }
0x25: {  	v3 =	vperm.xlane v3, v2;
	_ =	sdelay $0x1  }
0x26: {  	v3 =	vadd.s32 v1, v3  }
0x27: {  	[hbm4b:s3+s2] =	stream.indirect_vreg.scatter [tilespmem:s10], [sflag:$0x1], $0x80, v4, vm0, $0xb8;
	[tilespmem:$0x8100] =	vst v63  }
0x28: {  	_ = 	snop  }
0x29: {  	[hbm4b:s7+s2] =	stream.indirect_vreg.scatter [tilespmem:s14], [sflag:$0x1], $0x80, v4, vm0, $0xb8;
	[tilespmem:$0x8100] =	vst v63  }
0x2a: {  	_ = 	snop  }
0x2b: {  	[hbm4b:s3+s2] =	stream.indirect_vreg.scatter [tilespmem:s15], [sflag:$0x1], $0x80, v3, vm0, $0xb8;
	[tilespmem:$0x8100] =	vst v63  }
0x2c: {  	_ = 	snop  }
0x2d: {  	[hbm4b:s7+s2] =	stream.indirect_vreg.scatter [tilespmem:s16], [sflag:$0x1], $0x80, v3, vm0, $0xb8;
	[tilespmem:$0x8100] =	vst v63  }
0x2e: {  	v3 =	vld [tilespmem:$0x10];
	_ =	sdelay $0x4  }
0x2f: {  	v57 =	vshll.u32 v3, $0x2  }
0x30: {  	v3 =	vand.u32 $0x7, v3;
	v4 =	vand.u32 $0xFFFFFFE0, v57  }
0x31: {  	v3 =	vor.u32 v3, v4  }
0x32: {  	v4 =	vperm.xlane v3, v0;
	_ =	sdelay $0x1  }
0x33: {  	v4 =	vadd.s32 v1, v4;
	_ =	sdelay $0x1  }
0x34: {  	v3 =	vperm.xlane v3, v2;
	_ =	sdelay $0x1  }
0x35: {  	v3 =	vadd.s32 v1, v3  }
0x36: {  	[hbm4b:s3+s2] =	stream.indirect_vreg.scatter [tilespmem:s17], [sflag:$0x1], $0x80, v4, vm0, $0xb8;
	[tilespmem:$0x8100] =	vst v63  }
0x37: {  	_ = 	snop  }
0x38: {  	[hbm4b:s7+s2] =	stream.indirect_vreg.scatter [tilespmem:s18], [sflag:$0x1], $0x80, v4, vm0, $0xb8;
	[tilespmem:$0x8100] =	vst v63  }
0x39: {  	_ = 	snop  }
0x3a: {  	[hbm4b:s3+s2] =	stream.indirect_vreg.scatter [tilespmem:s19], [sflag:$0x1], $0x80, v3, vm0, $0xb8;
	[tilespmem:$0x8100] =	vst v63  }
0x3b: {  	_ = 	snop  }
0x3c: {  	[hbm4b:s7+s2] =	stream.indirect_vreg.scatter [tilespmem:s20], [sflag:$0x1], $0x80, v3, vm0, $0xb8;
	[tilespmem:$0x8100] =	vst v63  }
0x3d: {  	v3 =	vld [tilespmem:$0x20];
	_ =	sdelay $0x4  }
0x3e: {  	v58 =	vshll.u32 v3, $0x2  }
0x3f: {  	v3 =	vand.u32 $0x7, v3;
	v4 =	vand.u32 $0xFFFFFFE0, v58  }
0x40: {  	v3 =	vor.u32 v3, v4  }
0x41: {  	v4 =	vperm.xlane v3, v0;
	_ =	sdelay $0x1  }
0x42: {  	v4 =	vadd.s32 v1, v4;
	_ =	sdelay $0x1  }
0x43: {  	v3 =	vperm.xlane v3, v2;
	_ =	sdelay $0x1  }
0x44: {  	v3 =	vadd.s32 v1, v3  }
0x45: {  	[hbm4b:s3+s2] =	stream.indirect_vreg.scatter [tilespmem:s21], [sflag:$0x1], $0x80, v4, vm0, $0xb8;
	[tilespmem:$0x8100] =	vst v63  }
0x46: {  	_ = 	snop  }
0x47: {  	[hbm4b:s7+s2] =	stream.indirect_vreg.scatter [tilespmem:s22], [sflag:$0x1], $0x80, v4, vm0, $0xb8;
	[tilespmem:$0x8100] =	vst v63  }
0x48: {  	_ = 	snop  }
0x49: {  	[hbm4b:s3+s2] =	stream.indirect_vreg.scatter [tilespmem:s23], [sflag:$0x1], $0x80, v3, vm0, $0xb8;
	[tilespmem:$0x8100] =	vst v63  }
0x4a: {  	_ = 	snop  }
0x4b: {  	[hbm4b:s7+s2] =	stream.indirect_vreg.scatter [tilespmem:s24], [sflag:$0x1], $0x80, v3, vm0, $0xb8;
	[tilespmem:$0x8100] =	vst v63  }
0x4c: {  	v3 =	vld [tilespmem:$0x30];
	_ =	sdelay $0x4  }
0x4d: {  	v59 =	vshll.u32 v3, $0x2  }
0x4e: {  	v3 =	vand.u32 $0x7, v3;
	v4 =	vand.u32 $0xFFFFFFE0, v59  }
0x4f: {  	v3 =	vor.u32 v3, v4  }
0x50: {  	v4 =	vperm.xlane v3, v0;
	_ =	sdelay $0x1  }
0x51: {  	v4 =	vadd.s32 v1, v4;
	_ =	sdelay $0x1  }
0x52: {  	v3 =	vperm.xlane v3, v2;
	_ =	sdelay $0x1  }
0x53: {  	v3 =	vadd.s32 v1, v3  }
0x54: {  	[hbm4b:s3+s2] =	stream.indirect_vreg.scatter [tilespmem:s25], [sflag:$0x1], $0x80, v4, vm0, $0xb8;
	[tilespmem:$0x8100] =	vst v63  }
0x55: {  	_ = 	snop  }
0x56: {  	[hbm4b:s7+s2] =	stream.indirect_vreg.scatter [tilespmem:s26], [sflag:$0x1], $0x80, v4, vm0, $0xb8;
	[tilespmem:$0x8100] =	vst v63  }
0x57: {  	_ = 	snop  }
0x58: {  	[hbm4b:s3+s2] =	stream.indirect_vreg.scatter [tilespmem:s28], [sflag:$0x1], $0x80, v3, vm0, $0xb8;
	[tilespmem:$0x8100] =	vst v63  }
0x59: {  	_ = 	snop  }
0x5a: {  	[hbm4b:s7+s2] =	stream.indirect_vreg.scatter [tilespmem:s29], [sflag:$0x1], $0x80, v3, vm0, $0xb8;
	[tilespmem:$0x8100] =	vst v63  }
0x5b: {  	v3 =	vld [tilespmem:$0x80];
	_ =	sdelay $0x4  }
0x5c: {  	v60 =	vshll.u32 v3, $0x2  }
0x5d: {  	v3 =	vand.u32 $0x7, v3;
	v4 =	vand.u32 $0xFFFFFFE0, v60  }
0x5e: {  	v3 =	vor.u32 v3, v4  }
0x5f: {  	v4 =	vperm.xlane v3, v0;
	_ =	sdelay $0x1  }
0x60: {  	v4 =	vadd.s32 v1, v4;
	_ =	sdelay $0x1  }
0x61: {  	v3 =	vperm.xlane v3, v2;
	_ =	sdelay $0x1  }
0x62: {  	v3 =	vadd.s32 v1, v3  }
0x63: {  	[hbm4b:s3+s2] =	stream.indirect_vreg.scatter [tilespmem:s10], [sflag:$0x2], $0x80, v4, vm0, $0xb8;
	[tilespmem:$0x8100] =	vst v63  }
0x64: {  	_ = 	snop  }
0x65: {  	[hbm4b:s7+s2] =	stream.indirect_vreg.scatter [tilespmem:s14], [sflag:$0x2], $0x80, v4, vm0, $0xb8;
	[tilespmem:$0x8100] =	vst v63  }
0x66: {  	_ = 	snop  }
0x67: {  	[hbm4b:s3+s2] =	stream.indirect_vreg.scatter [tilespmem:s15], [sflag:$0x2], $0x80, v3, vm0, $0xb8;
	[tilespmem:$0x8100] =	vst v63  }
0x68: {  	_ = 	snop  }
0x69: {  	[hbm4b:s7+s2] =	stream.indirect_vreg.scatter [tilespmem:s16], [sflag:$0x2], $0x80, v3, vm0, $0xb8;
	[tilespmem:$0x8100] =	vst v63  }
0x6a: {  	v3 =	vld [tilespmem:$0x90];
	_ =	sdelay $0x4  }
0x6b: {  	v61 =	vshll.u32 v3, $0x2  }
0x6c: {  	v3 =	vand.u32 $0x7, v3;
	v4 =	vand.u32 $0xFFFFFFE0, v61  }
0x6d: {  	v3 =	vor.u32 v3, v4  }
0x6e: {  	v4 =	vperm.xlane v3, v0;
	_ =	sdelay $0x1  }
0x6f: {  	v4 =	vadd.s32 v1, v4;
	_ =	sdelay $0x1  }
0x70: {  	v3 =	vperm.xlane v3, v2;
	_ =	sdelay $0x1  }
0x71: {  	v3 =	vadd.s32 v1, v3  }
0x72: {  	[hbm4b:s3+s2] =	stream.indirect_vreg.scatter [tilespmem:s17], [sflag:$0x2], $0x80, v4, vm0, $0xb8;
	[tilespmem:$0x8100] =	vst v63  }
0x73: {  	_ = 	snop  }
0x74: {  	[hbm4b:s7+s2] =	stream.indirect_vreg.scatter [tilespmem:s18], [sflag:$0x2], $0x80, v4, vm0, $0xb8;
	[tilespmem:$0x8100] =	vst v63  }
0x75: {  	_ = 	snop  }
0x76: {  	[hbm4b:s3+s2] =	stream.indirect_vreg.scatter [tilespmem:s19], [sflag:$0x2], $0x80, v3, vm0, $0xb8;
	[tilespmem:$0x8100] =	vst v63  }
0x77: {  	_ = 	snop  }
0x78: {  	[hbm4b:s7+s2] =	stream.indirect_vreg.scatter [tilespmem:s20], [sflag:$0x2], $0x80, v3, vm0, $0xb8;
	[tilespmem:$0x8100] =	vst v63  }
0x79: {  	v3 =	vld [tilespmem:$0xA0];
	_ =	sdelay $0x4  }
0x7a: {  	v62 =	vshll.u32 v3, $0x2  }
0x7b: {  	v3 =	vand.u32 $0x7, v3;
	v4 =	vand.u32 $0xFFFFFFE0, v62  }
0x7c: {  	v3 =	vor.u32 v3, v4  }
0x7d: {  	v4 =	vperm.xlane v3, v0;
	_ =	sdelay $0x1  }
0x7e: {  	v4 =	vadd.s32 v1, v4;
	_ =	sdelay $0x1  }
0x7f: {  	v3 =	vperm.xlane v3, v2;
	_ =	sdelay $0x1  }
0x80: {  	v3 =	vadd.s32 v1, v3  }
0x81: {  	[hbm4b:s3+s2] =	stream.indirect_vreg.scatter [tilespmem:s21], [sflag:$0x2], $0x80, v4, vm0, $0xb8;
	[tilespmem:$0x8100] =	vst v63  }
0x82: {  	_ = 	snop  }
0x83: {  	[hbm4b:s7+s2] =	stream.indirect_vreg.scatter [tilespmem:s22], [sflag:$0x2], $0x80, v4, vm0, $0xb8;
	[tilespmem:$0x8100] =	vst v63  }
0x84: {  	_ = 	snop  }
0x85: {  	[hbm4b:s3+s2] =	stream.indirect_vreg.scatter [tilespmem:s23], [sflag:$0x2], $0x80, v3, vm0, $0xb8;
	[tilespmem:$0x8100] =	vst v63  }
0x86: {  	_ = 	snop  }
0x87: {  	[hbm4b:s7+s2] =	stream.indirect_vreg.scatter [tilespmem:s24], [sflag:$0x2], $0x80, v3, vm0, $0xb8;
	[tilespmem:$0x8100] =	vst v63  }
0x88: {  	v3 =	vld [tilespmem:$0xB0];
	_ =	sdelay $0x4  }
0x89: {  	v63 =	vshll.u32 v3, $0x2  }
0x8a: {  	v3 =	vand.u32 $0x7, v3;
	v4 =	vand.u32 $0xFFFFFFE0, v63  }
0x8b: {  	v3 =	vor.u32 v3, v4  }
0x8c: {  	v4 =	vperm.xlane v3, v0;
	_ =	sdelay $0x1  }
0x8d: {  	v4 =	vadd.s32 v1, v4;
	_ =	sdelay $0x1  }
0x8e: {  	v3 =	vperm.xlane v3, v2;
	_ =	sdelay $0x1  }
0x8f: {  	v3 =	vadd.s32 v1, v3  }
0x90: {  	[hbm4b:s3+s2] =	stream.indirect_vreg.scatter [tilespmem:s25], [sflag:$0x2], $0x80, v4, vm0, $0xb8;
	[tilespmem:$0x8100] =	vst v63  }
0x91: {  	_ = 	snop  }
0x92: {  	[hbm4b:s7+s2] =	stream.indirect_vreg.scatter [tilespmem:s26], [sflag:$0x2], $0x80, v4, vm0, $0xb8;
	[tilespmem:$0x8100] =	vst v63  }
0x93: {  	_ = 	snop  }
0x94: {  	[hbm4b:s3+s2] =	stream.indirect_vreg.scatter [tilespmem:s28], [sflag:$0x2], $0x80, v3, vm0, $0xb8;
	[tilespmem:$0x8100] =	vst v63  }
0x95: {  	_ = 	snop  }
0x96: {  	[hbm4b:s7+s2] =	stream.indirect_vreg.scatter [tilespmem:s29], [sflag:$0x2], $0x80, v3, vm0, $0xb8;
	[tilespmem:$0x8100] =	vst v63  }
0x97: {  	p0 =	sne.s32 s8, $0x1;
	_ =	swait.ge [sflag:s11], $0x8000  }
.Ltmp0:
0x98: {  	[sflag:s11] =	ssyncset.done $0x0;
	(pc) =	sbr.rel @p0 .LBB2_1-.Ltmp0, $4  }
0x99: {  	[sflag:s11] =	ssyncadd.s32 $0xFFFF8000  }
0x9a: {  	_ =	swait.ge [sflag:s12], $0x8000  }
0x9b: {  	[sflag:s12] =	ssyncset.done $0x0  }
0x9c: {  	s8 =	sadd.s32 $0xFFFFFFFF, s8;
	[sflag:s12] =	ssyncadd.s32 $0xFFFF8000  }
0x9d: {  	_ =	sfence.sel $0x180000  }
0x9e: {  	[bflag:$0x0] =	sbarrier.arrive $0xFFFF  }
0x9f: {  	p0 =	sne.s32 s1, $0x0;
	_ =	strace $0x90000047  }
0xa0: {  	s0 =	sadd.s32 @!p0 $0x100000, s0;
	[bflag:$0x2] =	sbarrier.arrive $0xFFFF  }
0xa1: {  	[sflag:s0] =	ssyncadd.tile.s32 @!p0 $0x1;
	_ =	shalt  }
.Lfunc_end2:
_tile_overlayer_lowered:
.L_overlay_start_2:
0xa2: {  	(tag) =	ssettag $0x2  }
0xa3: {  	s0 =	rddreg [dreg:$0x0];
	s2 =	stileid.u32  }
0xa4: {  	s1 =	rddreg [dreg:$0x1];
	p0 =	sne.s32 s2, $0x0  }
0xa5: {  	s3 =	rddreg [dreg:$0x2];
	[bflag:$0x3] =	sbarrier.arrive $0xFFFF;
	s2 =	simm.s32 @!p0 $0x1C04  }
0xa6: {  	[timem:s3], [sflag:s2] =	dma.local @!p0 [hbm:s0], s1  }
0xa7: {  	s0 =	simm.s32 @!p0 $0x4  }
0xa8: {  	_ =	swait.ge @!p0 [sflag:s0], s1  }
0xa9: {  	s1 =	ssub.s32 @!p0 $0x0, s1;
	[sflag:s0] =	ssyncset.done @!p0 $0x0  }
0xaa: {  	[sflag:s0] =	ssyncadd.s32 @!p0 s1  }
0xab: {  	[bflag:$0x3] =	sbarrier.arrive $0xFFFF  }
0xac: {  	_ =	shalt  }

</sc_bundles>
